<compile_context>
chip_gen: v7x
topology: tpu7x:2x2x1
jax: 0.10.2.dev20260603
libtpu: 0.0.44.dev20260713+nightly
codegen_flags: <defaults>
</compile_context>

<pallas_src>
import functools
import math

import jax
import jax.numpy as jnp
from jax.experimental import pallas as pl
from jax.experimental.pallas import tpu as pltpu
from jax.experimental.pallas import tpu_sc as plsc

_EPS = 1e-05
_NH = 12
_CHUNK = 16
_NEG = -1e9


def _rms(x, w, eps=_EPS):
    return x * jax.lax.rsqrt(jnp.mean(x * x, axis=-1, keepdims=True) + eps) * w


def _roll_lanes(t, shift):
    n = t.shape[1]
    s = shift % n
    if s == 0:
        return t
    return jnp.concatenate([t[:, n - s:], t[:, :n - s]], axis=1)



def _qkv_kernel(x_ref, cosb_ref, sina_ref, sinb_ref, anw_ref,
                wq_ref, wk_ref, wv_ref, q_ref, k_ref, v_ref, *, half, scale):
    x = x_ref[0]
    h = _rms(x, anw_ref[0]).astype(jnp.bfloat16)
    q = jnp.dot(h, wq_ref[...], preferred_element_type=jnp.float32)
    k = jnp.dot(h, wk_ref[...], preferred_element_type=jnp.float32)
    v = jnp.dot(h, wv_ref[...], preferred_element_type=jnp.float32)
    cos = cosb_ref[...]
    sa = sina_ref[...]
    sb = sinb_ref[...]

    def rope(t):
        rm = _roll_lanes(t, -half)
        rp = _roll_lanes(t, half)
        return t * cos + rm * sa + rp * sb

    q_ref[0] = (rope(q) * scale).astype(jnp.bfloat16)
    k_ref[0] = rope(k).astype(jnp.bfloat16)
    v_ref[0] = v.astype(jnp.bfloat16)


def _qkv_call(x, cosb, sina, sinb, anw, wq, wk, wv, tile, interpret=False):
    B, L, D = x.shape
    hd = D // _NH
    grid = (B, L // tile)
    bspec_x = pl.BlockSpec((1, tile, D), lambda b, i: (b, i, 0))
    bspec_pos = pl.BlockSpec((tile, D), lambda b, i: (i, 0))
    bspec_w = pl.BlockSpec((D, D), lambda b, i: (0, 0))
    bspec_row = pl.BlockSpec((1, D), lambda b, i: (0, 0))
    out = pl.pallas_call(
        functools.partial(_qkv_kernel, half=hd // 2,
                          scale=1.0 / math.sqrt(hd)),
        grid=grid,
        in_specs=[bspec_x, bspec_pos, bspec_pos, bspec_pos, bspec_row,
                  bspec_w, bspec_w, bspec_w],
        out_specs=[bspec_x, bspec_x, bspec_x],
        out_shape=[jax.ShapeDtypeStruct((B, L, D), jnp.bfloat16)] * 3,
        interpret=interpret,
    )(x, cosb, sina, sinb, anw, wq, wk, wv)
    return out



def _attn_kernel(q_ref, k_ref, v_ref, o_ref, *, tile):
    i = pl.program_id(2)
    q = q_ref[0, 0]
    k = k_ref[0, 0]
    v = v_ref[0, 0]
    s = jax.lax.dot_general(q, k, (((1,), (1,)), ((), ())),
                            preferred_element_type=jnp.float32)
    L = s.shape[1]
    row = i * tile + jax.lax.broadcasted_iota(jnp.int32, s.shape, 0)
    col = jax.lax.broadcasted_iota(jnp.int32, s.shape, 1)
    s = jnp.where(col <= row, s, _NEG)
    m = jnp.max(s, axis=-1, keepdims=True)
    p = jnp.exp(s - m)
    denom = jnp.sum(p, axis=-1, keepdims=True)
    o = jnp.dot(p.astype(jnp.bfloat16), v, preferred_element_type=jnp.float32)
    o_ref[0, 0] = (o / denom).astype(jnp.bfloat16)


def _attn_call(q, k, v, tile, interpret=False):
    B, NH, L, hd = q.shape
    grid = (B, NH, L // tile)
    bspec_q = pl.BlockSpec((1, 1, tile, hd), lambda b, h, i: (b, h, i, 0))
    bspec_kv = pl.BlockSpec((1, 1, L, hd), lambda b, h, i: (b, h, 0, 0))
    return pl.pallas_call(
        functools.partial(_attn_kernel, tile=tile),
        grid=grid,
        in_specs=[bspec_q, bspec_kv, bspec_kv],
        out_specs=bspec_q,
        out_shape=jax.ShapeDtypeStruct((B, NH, L, hd), jnp.bfloat16),
        interpret=interpret,
    )(q, k, v)



def _ffn_kernel(x_ref, o_ref, wo_ref, fnw_ref, w1_ref, w3_ref, w2_ref,
                nw_ref, out_ref, *, final):
    x1 = x_ref[0] + jnp.dot(o_ref[0], wo_ref[...],
                            preferred_element_type=jnp.float32)
    h2 = _rms(x1, fnw_ref[0]).astype(jnp.bfloat16)
    u = jnp.dot(h2, w1_ref[...], preferred_element_type=jnp.float32)
    g = jnp.dot(h2, w3_ref[...], preferred_element_type=jnp.float32)
    a = (u * jax.lax.logistic(u) * g).astype(jnp.bfloat16)
    ff = jnp.dot(a, w2_ref[...], preferred_element_type=jnp.float32)
    out = x1 + ff
    if final:
        out = _rms(out, nw_ref[0])
    out_ref[0] = out


def _ffn_call(x, o, wo, fnw, w1, w3, w2, nw, tile, final, interpret=False):
    B, L, D = x.shape
    H = w1.shape[1]
    grid = (B, L // tile)
    bspec_x = pl.BlockSpec((1, tile, D), lambda b, i: (b, i, 0))
    bspec_row = pl.BlockSpec((1, D), lambda b, i: (0, 0))
    return pl.pallas_call(
        functools.partial(_ffn_kernel, final=final),
        grid=grid,
        in_specs=[bspec_x, bspec_x,
                  pl.BlockSpec((D, D), lambda b, i: (0, 0)),
                  bspec_row,
                  pl.BlockSpec((D, H), lambda b, i: (0, 0)),
                  pl.BlockSpec((D, H), lambda b, i: (0, 0)),
                  pl.BlockSpec((H, D), lambda b, i: (0, 0)),
                  bspec_row],
        out_specs=bspec_x,
        out_shape=jax.ShapeDtypeStruct((B, L, D), jnp.float32),
        interpret=interpret,
    )(x, o, wo, fnw, w1, w3, w2, nw)



def _compress_call(xn):
    B, L, D = xn.shape
    S = L // _CHUNK
    split = 2
    Ds = D // split
    n_rows = B * S * split
    flat = xn.reshape(B * L * split, Ds)
    base = jnp.arange(B * S, dtype=jnp.int32) * (_CHUNK * split)
    idx = (base[:, None] + jnp.arange(split, dtype=jnp.int32)[None, :]
           ).reshape(1, n_rows)
    mesh = plsc.VectorSubcoreMesh(core_axis_name="core",
                                  subcore_axis_name="subcore")
    window = 128

    @functools.partial(
        pl.kernel,
        out_type=jax.ShapeDtypeStruct((n_rows, Ds), xn.dtype),
        mesh=mesh)
    def gather_kernel(x_hbm, i_hbm, o_hbm):
        def body(i_vmem, o_vmem):
            pltpu.sync_copy(x_hbm.at[i_vmem.at[0]], o_vmem)

        pltpu.emit_pipeline(
            body,
            grid=(n_rows // window,),
            in_specs=[pl.BlockSpec((1, window), index_map=lambda i: (0, i))],
            out_specs=[pl.BlockSpec((window, Ds), index_map=lambda i: (i, 0))],
            core_axis_name="subcore",
            dimension_semantics=(pltpu.PARALLEL,),
        )(i_hbm, o_hbm)

    return gather_kernel(flat, idx).reshape(B, S, D)



def _forward(x, cos, sin, layers_attn_norm, layers_wq, layers_wk, layers_wv,
             layers_wo, layers_ffn_norm, layers_w1, layers_w2, layers_w3,
             norm_w, interpret=False, sc_compress=True):
    B, L, D = x.shape
    hd = D // _NH
    half = hd // 2
    n_layers = layers_wq.shape[0]

    cosb = jnp.tile(cos, (1, _NH))
    sinb = jnp.tile(sin, (1, _NH))
    lane_in_head = jnp.arange(D, dtype=jnp.int32) % hd
    first = (lane_in_head < half)[None, :]
    sina = jnp.where(first, -sinb, 0.0)
    sinb2 = jnp.where(first, 0.0, sinb)

    bf = jnp.bfloat16
    tile_qkv = min(512, L)
    tile_attn = min(256, L)
    tile_ffn = min(512, L)

    nw_row = norm_w.reshape(1, D)
    for i in range(n_layers):
        q, k, v = _qkv_call(x, cosb, sina, sinb2,
                            layers_attn_norm[i].reshape(1, D),
                            layers_wq[i].astype(bf), layers_wk[i].astype(bf),
                            layers_wv[i].astype(bf), tile_qkv, interpret)
        qt = q.reshape(B, L, _NH, hd).transpose(0, 2, 1, 3)
        kt = k.reshape(B, L, _NH, hd).transpose(0, 2, 1, 3)
        vt = v.reshape(B, L, _NH, hd).transpose(0, 2, 1, 3)
        ot = _attn_call(qt, kt, vt, tile_attn, interpret)
        o = ot.transpose(0, 2, 1, 3).reshape(B, L, D)
        x = _ffn_call(x, o, layers_wo[i].astype(bf),
                      layers_ffn_norm[i].reshape(1, D),
                      layers_w1[i].astype(bf), layers_w3[i].astype(bf),
                      layers_w2[i].astype(bf), nw_row, tile_ffn,
                      final=(i == n_layers - 1), interpret=interpret)

    S = L // _CHUNK
    if sc_compress:
        compressed = _compress_call(x)
    else:
        compressed = _compress_tc(x, interpret)
    starts = jnp.arange(0, L, _CHUNK, dtype=jnp.int32)
    boundary_positions = jnp.broadcast_to(starts[None, :], (B, S))
    counts = jnp.full((B,), S, dtype=jnp.int32)
    avg_chunk_size = float(L) / float(S)
    return (x, compressed, boundary_positions, counts, avg_chunk_size)


def _compress_tc(xn, interpret=False):
    B, L, D = xn.shape
    S = L // _CHUNK

    def k_fn(x_ref, o_ref):
        def body(s, _):
            o_ref[0, s, :] = x_ref[0, pl.multiple_of(s * _CHUNK, 8), :]
            return 0
        jax.lax.fori_loop(0, S, body, 0)

    return pl.pallas_call(
        k_fn,
        grid=(B,),
        in_specs=[pl.BlockSpec((1, L, D), lambda b: (b, 0, 0))],
        out_specs=pl.BlockSpec((1, S, D), lambda b: (b, 0, 0)),
        out_shape=jax.ShapeDtypeStruct((B, S, D), xn.dtype),
        interpret=interpret,
    )(xn)


def kernel(x, cos, sin, layers_attn_norm, layers_wq, layers_wk, layers_wv,
           layers_wo, layers_ffn_norm, layers_w1, layers_w2, layers_w3,
           norm_w):
    return _forward(x, cos, sin, layers_attn_norm, layers_wq, layers_wk,
                    layers_wv, layers_wo, layers_ffn_norm, layers_w1,
                    layers_w2, layers_w3, norm_w)

# --- scband reference (transcript-rebuilt; emitter-appended) ---
"""Pipeline reference for scband-compressor-24180665876754 (READ-ONLY COPY).

The authoritative reference and input builder live on the scoring server;
editing this copy changes nothing except your own understanding.
"""

import jax, jax.numpy as jnp
import numpy as np

N_HEADS = 12
EPS = 1e-05
CHUNK_SIZE = 16
N_LAYERS = 2
DIM = 768
HIDDEN = 2048
B = 4
L = 2048
HEAD_DIM = DIM // N_HEADS


def rms_norm(x, w, eps=EPS):
    return x * jax.lax.rsqrt(jnp.mean(x * x, axis=-1, keepdims=True) + eps) * w


def rotate_half(x):
    x1, x2 = jnp.split(x, 2, axis=-1)
    return jnp.concatenate([-x2, x1], axis=-1)


def setup_inputs(seed: int = 0) -> dict:
    key = jax.random.key(seed)
    ks = jax.random.split(key, 12)
    s = 0.02
    inp = {}
    inp['x'] = jax.random.normal(ks[0], (B, L, DIM), dtype=jnp.float32)
    inp['cos'] = jax.random.uniform(ks[1], (L, HEAD_DIM), dtype=jnp.float32)
    inp['sin'] = jax.random.uniform(ks[2], (L, HEAD_DIM), dtype=jnp.float32)
    inp['layers_attn_norm'] = jnp.ones((N_LAYERS, DIM), jnp.float32)
    inp['layers_wq'] = jax.random.normal(ks[3], (N_LAYERS, DIM, DIM), dtype=jnp.float32) * s
    inp['layers_wk'] = jax.random.normal(ks[4], (N_LAYERS, DIM, DIM), dtype=jnp.float32) * s
    inp['layers_wv'] = jax.random.normal(ks[5], (N_LAYERS, DIM, DIM), dtype=jnp.float32) * s
    inp['layers_wo'] = jax.random.normal(ks[6], (N_LAYERS, DIM, DIM), dtype=jnp.float32) * s
    inp['layers_ffn_norm'] = jnp.ones((N_LAYERS, DIM), jnp.float32)
    inp['layers_w1'] = jax.random.normal(ks[7], (N_LAYERS, DIM, HIDDEN), dtype=jnp.float32) * s
    inp['layers_w3'] = jax.random.normal(ks[8], (N_LAYERS, DIM, HIDDEN), dtype=jnp.float32) * s
    inp['layers_w2'] = jax.random.normal(ks[9], (N_LAYERS, HIDDEN, DIM), dtype=jnp.float32) * s
    inp['norm_w'] = jnp.ones((DIM,), jnp.float32)
    return inp


def _block(x, cos, sin, anw, wq, wk, wv, wo, fnw, w1, w2, w3):
    Bq, Lq, D = x.shape
    hd = D // N_HEADS
    h = rms_norm(x, anw)
    q = (h @ wq).reshape(Bq, Lq, N_HEADS, hd).transpose(0, 2, 1, 3)
    k = (h @ wk).reshape(Bq, Lq, N_HEADS, hd).transpose(0, 2, 1, 3)
    v = (h @ wv).reshape(Bq, Lq, N_HEADS, hd).transpose(0, 2, 1, 3)
    c = cos[None, None, :, :]
    sn = sin[None, None, :, :]
    q = q * c + rotate_half(q) * sn
    k = k * c + rotate_half(k) * sn
    scores = jnp.einsum('bhqd,bhkd->bhqk', q, k) / np.sqrt(hd)
    mask = jnp.tril(jnp.ones((Lq, Lq), dtype=bool))
    scores = jnp.where(mask[None, None, :, :], scores, -1e9)
    attn = jax.nn.softmax(scores, axis=-1)
    o = jnp.einsum('bhqk,bhkd->bhqd', attn, v).transpose(0, 2, 1, 3).reshape(Bq, Lq, D)
    x = x + o @ wo
    h2 = rms_norm(x, fnw)
    ff = (jax.nn.silu(h2 @ w1) * (h2 @ w3)) @ w2
    return x + ff


def reference(x, cos, sin, layers_attn_norm, layers_wq, layers_wk, layers_wv, layers_wo, layers_ffn_norm, layers_w1, layers_w2, layers_w3, norm_w):
    for i in range(N_LAYERS):
        x = _block(x, cos, sin, layers_attn_norm[i], layers_wq[i], layers_wk[i], layers_wv[i], layers_wo[i], layers_ffn_norm[i], layers_w1[i], layers_w2[i], layers_w3[i])
    x = rms_norm(x, norm_w)
    Bq, Lq, D = x.shape
    starts = jnp.arange(0, Lq, CHUNK_SIZE)
    S = starts.shape[0]
    # uniform chunking: one-hot selection matrix, compressed_x = select @ x (boundary gather)
    select = jnp.zeros((Bq, S, Lq), x.dtype).at[:, jnp.arange(S), starts].set(1.0)
    compressed_x = jnp.einsum('bsl,bld->bsd', select, x)
    boundary_positions = jnp.broadcast_to(starts[None, :], (Bq, S))
    counts = jnp.full((Bq,), S, dtype=jnp.int32)
    avg_chunk_size = float(Lq) / float(S)
    return (x, compressed_x, boundary_positions, counts, avg_chunk_size)

if __name__ == "__main__":
    import jax
    _d = setup_inputs()
    print(jax.jit(kernel)(*tuple(_d.values())))

</pallas_src>

<mosaic_0001>
#map = affine_map<(d0, d1) -> (0, 0)>
module attributes {stable_mosaic.version = 14 : i64} {
  func.func @gather_kernel(%arg0: i32, %arg1: i32, %arg2: memref<16384x384xf32, #tpu.memory_space<hbm>>, %arg3: memref<1x1024xi32, #tpu.memory_space<hbm>>, %arg4: memref<1024x384xf32, #tpu.memory_space<hbm>>) attributes {dimension_semantics = [#tpu.dimension_semantics<core_parallel>, #tpu.dimension_semantics<subcore_parallel>], iteration_bounds = array<i64: 2, 16>, scalar_prefetch = 0 : i64, scratch_operands = 0 : i64, tpu.core_type = #tpu.core_type<sc_vector_subcore>, window_params = [{transform_indices = #map}, {transform_indices = #map}, {transform_indices = #map}]} {
    %lt3A = arith.constant 8 : i32
    %lt3A_0 = arith.cmpi slt, %arg1, %lt3A : i32
    %jit3A = arith.constant 1 : i32
    %jit3A_1 = arith.constant 0 : i32
    %select_n3A = arith.select %lt3A_0, %jit3A, %jit3A_1 : i32
    %lt3A_2 = arith.constant 8 : i32
    %lt3A_3 = arith.cmpi slt, %arg1, %lt3A_2 : i32
    %mul3A = arith.muli %arg1, %select_n3A : i32
    %mul3A_4 = arith.constant 0 : i32
    %mul3A_5 = arith.muli %arg1, %mul3A_4 : i32
    %add3A = arith.constant 8 : i32
    %add3A_6 = arith.addi %mul3A_5, %add3A : i32
    %select_n3A_7 = arith.select %lt3A_3, %mul3A, %add3A_6 : i32
    %mul3A_8 = arith.constant 1 : i32
    %mul3A_9 = arith.muli %mul3A_8, %select_n3A : i32
    "tpu.region"() ({
      %run_scoped3A = memref.alloca() : memref<2x1x128xi32, #tpu.memory_space<vmem>>
      %run_scoped3A_10 = tpu.sem_alloc : memref<2x!tpu.dma_semaphore, #tpu.memory_space<semaphore_mem>>
      %run_scoped3A_11 = memref.alloca() : memref<2x128x384xf32, #tpu.memory_space<vmem>>
      %run_scoped3A_12 = tpu.sem_alloc : memref<2x!tpu.dma_semaphore, #tpu.memory_space<semaphore_mem>>
      %gt3A = arith.constant 0 : i32
      %gt3A_13 = arith.cmpi sgt, %mul3A_9, %gt3A : i32
      %convert_element_type3A = arith.extui %gt3A_13 : i1 to i32
      %cond3A = arith.constant 0 : i32
      %cond3A_14 = arith.cmpi ne, %convert_element_type3A, %cond3A : i32
      scf.if %cond3A_14 {
        %mul3A_15 = arith.constant 1 : i32
        %mul3A_16 = arith.muli %mul3A_15, %select_n3A : i32
        %sub3A = arith.constant 1 : i32
        %sub3A_17 = arith.subi %mul3A_16, %sub3A : i32
        %eq3A = arith.constant 0 : i32
        %eq3A_18 = arith.cmpi eq, %sub3A_17, %eq3A : i32
        %add3A_19 = arith.constant 0 : i32
        %add3A_20 = arith.addi %add3A_19, %select_n3A_7 : i32
        %select_n3A_21 = arith.constant true
        %select_n3A_22 = arith.constant 0 : i32
        %select_n3A_23 = arith.constant -1 : i32
        %select_n3A_24 = arith.select %select_n3A_21, %select_n3A_23, %select_n3A_22 : i32
        %eq3A_25 = arith.constant -1 : i32
        %eq3A_26 = arith.cmpi eq, %select_n3A_24, %eq3A_25 : i32
        %sub3A_27 = arith.constant 1 : i32
        %sub3A_28 = arith.subi %select_n3A, %sub3A_27 : i32
        %select_n3A_29 = arith.select %eq3A_26, %sub3A_28, %select_n3A_24 : i32
        %add3A_30 = arith.addi %select_n3A_29, %select_n3A_7 : i32
        %select_n3A_31 = arith.constant true
        %select_n3A_32 = arith.constant 0 : i32
        %select_n3A_33 = arith.constant 1 : i32
        %select_n3A_34 = arith.select %select_n3A_31, %select_n3A_33, %select_n3A_32 : i32
        %eq3A_35 = arith.cmpi eq, %select_n3A_34, %select_n3A : i32
        %select_n3A_36 = arith.constant 0 : i32
        %select_n3A_37 = arith.select %eq3A_35, %select_n3A_36, %select_n3A_34 : i32
        %add3A_38 = arith.addi %select_n3A_37, %select_n3A_7 : i32
        %add3A_39 = arith.constant 1 : i32
        %add3A_40 = arith.addi %select_n3A_37, %add3A_39 : i32
        %select_n3A_41 = arith.constant true
        %select_n3A_42 = arith.select %select_n3A_41, %add3A_40, %select_n3A_37 : i32
        %eq3A_43 = arith.cmpi eq, %select_n3A_42, %select_n3A : i32
        %select_n3A_44 = arith.constant 0 : i32
        %select_n3A_45 = arith.select %eq3A_43, %select_n3A_44, %select_n3A_42 : i32
        %add3A_46 = arith.addi %select_n3A_45, %select_n3A_7 : i32
        "tpu.trace_start"() <{level = 10 : i32, message = "ep_initialize_0"}> : () -> ()
        %rem3A = arith.constant 0 : i32
        %rem3A_47 = arith.constant 2 : i32
        %rem3A_48 = arith.remui %rem3A, %rem3A_47 : i32
        %mul3A_49 = arith.constant 128 : i32
        %mul3A_50 = arith.muli %mul3A_49, %add3A_20 : i32
        %dma_start3A = arith.constant 0 : i32
        %dma_start3A_51 = arith.constant 0 : i32
        %dma_start3A_52 = tpu.memref_slice %run_scoped3A[%rem3A_48, %dma_start3A, %dma_start3A_51] : memref<2x1x128xi32, #tpu.memory_space<vmem>> -> memref<1x1x128xi32, #tpu.memory_space<vmem>>
        %dma_start3A_53 = tpu.memref_squeeze %dma_start3A_52 : memref<1x1x128xi32, #tpu.memory_space<vmem>> -> memref<1x128xi32, #tpu.memory_space<vmem>>
        %dma_start3A_54 = arith.constant 0 : i32
        %dma_start3A_55 = tpu.memref_slice %arg3[%dma_start3A_54, %mul3A_50] : memref<1x1024xi32, #tpu.memory_space<hbm>> -> memref<1x128xi32, #tpu.memory_space<hbm>>
        %dma_start3A_56 = tpu.memref_slice %run_scoped3A_10[%rem3A_48] : memref<2x!tpu.dma_semaphore, #tpu.memory_space<semaphore_mem>> -> memref<1x!tpu.dma_semaphore, #tpu.memory_space<semaphore_mem>>
        %dma_start3A_57 = tpu.memref_squeeze %dma_start3A_56 : memref<1x!tpu.dma_semaphore, #tpu.memory_space<semaphore_mem>> -> memref<!tpu.dma_semaphore, #tpu.memory_space<semaphore_mem>>
        %dma_start3A_58 = arith.constant 0 : i32
        %dma_start3A_59 = arith.constant 0 : i32
        %dma_start3A_60 = tpu.memref_slice %run_scoped3A[%rem3A_48, %dma_start3A_58, %dma_start3A_59] : memref<2x1x128xi32, #tpu.memory_space<vmem>> -> memref<1x1x128xi32, #tpu.memory_space<vmem>>
        %dma_start3A_61 = tpu.memref_squeeze %dma_start3A_60 : memref<1x1x128xi32, #tpu.memory_space<vmem>> -> memref<1x128xi32, #tpu.memory_space<vmem>>
        %dma_start3A_62 = arith.constant 0 : i32
        %dma_start3A_63 = tpu.memref_slice %arg3[%dma_start3A_62, %mul3A_50] : memref<1x1024xi32, #tpu.memory_space<hbm>> -> memref<1x128xi32, #tpu.memory_space<hbm>>
        tpu.enqueue_dma source(%dma_start3A_63 : memref<1x128xi32, #tpu.memory_space<hbm>>) target(%dma_start3A_61 : memref<1x128xi32, #tpu.memory_space<vmem>>) target_semaphore(%dma_start3A_57 : memref<!tpu.dma_semaphore, #tpu.memory_space<semaphore_mem>>)
        %add3A_64 = arith.constant 0 : i32
        %add3A_65 = arith.constant 1 : i32
        %add3A_66 = arith.addi %add3A_64, %add3A_65 : i32
        %select_n3A_67 = arith.constant true
        %select_n3A_68 = arith.constant 0 : i32
        %select_n3A_69 = arith.select %select_n3A_67, %add3A_66, %select_n3A_68 : i32
        %while3A = arith.constant 0 : i32
        %while3A_70 = arith.constant 0 : i32
        %while3A_71 = arith.constant 0 : i32
        %while3A_72 = arith.constant 0 : i32
        %while3A_73 = arith.constant 0 : i32
        "tpu.trace_stop"() : () -> ()
        %while3A_74 = arith.subi %mul3A_9, %while3A : i32
        %while3A_75 = arith.addi %while3A, %while3A_74 : i32
        %while3A_76 = arith.constant 1 : i32
        %while3A_77 = arith.divsi %while3A_74, %while3A_76 : i32
        %while3A_78 = arith.muli %while3A_77, %while3A_76 : i32
        %while3A_79 = arith.addi %while3A, %while3A_78 : i32
        %while3A_80 = arith.constant 1 : i32
        %while3A_81:5 = scf.for %while3A_135 = %while3A to %while3A_79 step %while3A_80 iter_args(%while3A_136 = %select_n3A_69, %while3A_137 = %while3A_70, %while3A_138 = %while3A_71, %while3A_139 = %while3A_72, %while3A_140 = %while3A_73) -> (i32, i32, i32, i32, i32)  : i32 {
          %mul3A_141 = arith.constant 1 : i32
          %mul3A_142 = arith.muli %mul3A_141, %select_n3A : i32
          %eq3A_143 = arith.constant 0 : i32
          %eq3A_144 = arith.cmpi eq, %while3A_135, %eq3A_143 : i32
          %sub3A_145 = arith.constant 1 : i32
          %sub3A_146 = arith.subi %mul3A_142, %sub3A_145 : i32
          %eq3A_147 = arith.cmpi eq, %while3A_135, %sub3A_146 : i32
          %add3A_148 = arith.addi %while3A_140, %select_n3A_7 : i32
          %sub3A_149 = arith.constant 1 : i32
          %sub3A_150 = arith.subi %while3A_140, %sub3A_149 : i32
          %select_n3A_151 = arith.constant true
          %select_n3A_152 = arith.select %select_n3A_151, %sub3A_150, %while3A_140 : i32
          %eq3A_153 = arith.constant -1 : i32
          %eq3A_154 = arith.cmpi eq, %select_n3A_152, %eq3A_153 : i32
          %sub3A_155 = arith.constant 1 : i32
          %sub3A_156 = arith.subi %select_n3A, %sub3A_155 : i32
          %select_n3A_157 = arith.select %eq3A_154, %sub3A_156, %select_n3A_152 : i32
          %add3A_158 = arith.addi %select_n3A_157, %select_n3A_7 : i32
          %add3A_159 = arith.constant 1 : i32
          %add3A_160 = arith.addi %while3A_140, %add3A_159 : i32
          %select_n3A_161 = arith.constant true
          %select_n3A_162 = arith.select %select_n3A_161, %add3A_160, %while3A_140 : i32
          %eq3A_163 = arith.cmpi eq, %select_n3A_162, %select_n3A : i32
          %select_n3A_164 = arith.constant 0 : i32
          %select_n3A_165 = arith.select %eq3A_163, %select_n3A_164, %select_n3A_162 : i32
          %add3A_166 = arith.addi %select_n3A_165, %select_n3A_7 : i32
          %add3A_167 = arith.constant 1 : i32
          %add3A_168 = arith.addi %select_n3A_165, %add3A_167 : i32
          %select_n3A_169 = arith.constant true
          %select_n3A_170 = arith.select %select_n3A_169, %add3A_168, %select_n3A_165 : i32
          %eq3A_171 = arith.cmpi eq, %select_n3A_170, %select_n3A : i32
          %select_n3A_172 = arith.constant 0 : i32
          %select_n3A_173 = arith.select %eq3A_171, %select_n3A_172, %select_n3A_170 : i32
          %add3A_174 = arith.addi %select_n3A_173, %select_n3A_7 : i32
          %ne3A = arith.cmpi ne, %add3A_148, %add3A_166 : i32
          %or3A = arith.constant false
          %or3A_175 = arith.ori %or3A, %ne3A : i1
          %sub3A_176 = arith.constant 2 : i32
          %sub3A_177 = arith.subi %mul3A_142, %sub3A_176 : i32
          %add3A_178 = arith.constant 1 : i32
          %add3A_179 = arith.addi %sub3A_177, %add3A_178 : i32
          %ge3A = arith.cmpi sge, %while3A_135, %add3A_179 : i32
          %not3A = arith.constant true
          %not3A_180 = arith.xori %ge3A, %not3A : i1
          %and3A = arith.andi %or3A_175, %not3A_180 : i1
          %convert_element_type3A_181 = arith.extui %and3A : i1 to i32
          %cond3A_182 = arith.constant 0 : i32
          %cond3A_183 = arith.cmpi ne, %convert_element_type3A_181, %cond3A_182 : i32
          scf.if %cond3A_183 {
            "tpu.trace_start"() <{level = 10 : i32, message = "ep_copy_in"}> : () -> ()
            %rem3A_287 = arith.constant 2 : i32
            %rem3A_288 = arith.remui %while3A_136, %rem3A_287 : i32
            %mul3A_289 = arith.constant 128 : i32
            %mul3A_290 = arith.muli %mul3A_289, %add3A_166 : i32
            %dma_start3A_291 = arith.constant 0 : i32
            %dma_start3A_292 = arith.constant 0 : i32
            %dma_start3A_293 = tpu.memref_slice %run_scoped3A[%rem3A_288, %dma_start3A_291, %dma_start3A_292] : memref<2x1x128xi32, #tpu.memory_space<vmem>> -> memref<1x1x128xi32, #tpu.memory_space<vmem>>
            %dma_start3A_294 = tpu.memref_squeeze %dma_start3A_293 : memref<1x1x128xi32, #tpu.memory_space<vmem>> -> memref<1x128xi32, #tpu.memory_space<vmem>>
            %dma_start3A_295 = arith.constant 0 : i32
            %dma_start3A_296 = tpu.memref_slice %arg3[%dma_start3A_295, %mul3A_290] : memref<1x1024xi32, #tpu.memory_space<hbm>> -> memref<1x128xi32, #tpu.memory_space<hbm>>
            %dma_start3A_297 = tpu.memref_slice %run_scoped3A_10[%rem3A_288] : memref<2x!tpu.dma_semaphore, #tpu.memory_space<semaphore_mem>> -> memref<1x!tpu.dma_semaphore, #tpu.memory_space<semaphore_mem>>
            %dma_start3A_298 = tpu.memref_squeeze %dma_start3A_297 : memref<1x!tpu.dma_semaphore, #tpu.memory_space<semaphore_mem>> -> memref<!tpu.dma_semaphore, #tpu.memory_space<semaphore_mem>>
            %dma_start3A_299 = arith.constant 0 : i32
            %dma_start3A_300 = arith.constant 0 : i32
            %dma_start3A_301 = tpu.memref_slice %run_scoped3A[%rem3A_288, %dma_start3A_299, %dma_start3A_300] : memref<2x1x128xi32, #tpu.memory_space<vmem>> -> memref<1x1x128xi32, #tpu.memory_space<vmem>>
            %dma_start3A_302 = tpu.memref_squeeze %dma_start3A_301 : memref<1x1x128xi32, #tpu.memory_space<vmem>> -> memref<1x128xi32, #tpu.memory_space<vmem>>
            %dma_start3A_303 = arith.constant 0 : i32
            %dma_start3A_304 = tpu.memref_slice %arg3[%dma_start3A_303, %mul3A_290] : memref<1x1024xi32, #tpu.memory_space<hbm>> -> memref<1x128xi32, #tpu.memory_space<hbm>>
            tpu.enqueue_dma source(%dma_start3A_304 : memref<1x128xi32, #tpu.memory_space<hbm>>) target(%dma_start3A_302 : memref<1x128xi32, #tpu.memory_space<vmem>>) target_semaphore(%dma_start3A_298 : memref<!tpu.dma_semaphore, #tpu.memory_space<semaphore_mem>>)
            "tpu.trace_stop"() : () -> ()
          } else {
          }
          %and3A_184 = arith.constant true
          %and3A_185 = arith.andi %and3A, %and3A_184 : i1
          %add3A_186 = arith.constant 1 : i32
          %add3A_187 = arith.addi %while3A_136, %add3A_186 : i32
          %select_n3A_188 = arith.select %and3A_185, %add3A_187, %while3A_136 : i32
          %ne3A_189 = arith.cmpi ne, %add3A_148, %add3A_166 : i32
          %or3A_190 = arith.constant false
          %or3A_191 = arith.ori %or3A_190, %ne3A_189 : i1
          %or3A_192 = arith.constant false
          %or3A_193 = arith.ori %or3A_191, %or3A_192 : i1
          %sub3A_194 = arith.constant 2 : i32
          %sub3A_195 = arith.subi %mul3A_142, %sub3A_194 : i32
          %add3A_196 = arith.constant 1 : i32
          %add3A_197 = arith.addi %sub3A_195, %add3A_196 : i32
          %ge3A_198 = arith.cmpi sge, %while3A_135, %add3A_197 : i32
          %not3A_199 = arith.constant true
          %not3A_200 = arith.xori %ge3A_198, %not3A_199 : i1
          %and3A_201 = arith.andi %or3A_193, %not3A_200 : i1
          %ne3A_202 = arith.cmpi ne, %add3A_148, %add3A_158 : i32
          %or3A_203 = arith.constant false
          %or3A_204 = arith.ori %or3A_203, %ne3A_202 : i1
          %or3A_205 = arith.ori %or3A_204, %eq3A_144 : i1
          %convert_element_type3A_206 = arith.extui %or3A_205 : i1 to i32
          %cond3A_207 = arith.constant 0 : i32
          %cond3A_208 = arith.cmpi ne, %convert_element_type3A_206, %cond3A_207 : i32
          scf.if %cond3A_208 {
            "tpu.trace_start"() <{level = 10 : i32, message = "ep_wait_in"}> : () -> ()
            %mul3A_287 = arith.constant 128 : i32
            %mul3A_288 = arith.muli %mul3A_287, %add3A_148 : i32
            %rem3A_289 = arith.constant 2 : i32
            %rem3A_290 = arith.remui %while3A_137, %rem3A_289 : i32
            %dma_wait3A = arith.constant 0 : i32
            %dma_wait3A_291 = arith.constant 0 : i32
            %dma_wait3A_292 = tpu.memref_slice %run_scoped3A[%rem3A_290, %dma_wait3A, %dma_wait3A_291] : memref<2x1x128xi32, #tpu.memory_space<vmem>> -> memref<1x1x128xi32, #tpu.memory_space<vmem>>
            %dma_wait3A_293 = tpu.memref_squeeze %dma_wait3A_292 : memref<1x1x128xi32, #tpu.memory_space<vmem>> -> memref<1x128xi32, #tpu.memory_space<vmem>>
            %dma_wait3A_294 = arith.constant 0 : i32
            %dma_wait3A_295 = tpu.memref_slice %arg3[%dma_wait3A_294, %mul3A_288] : memref<1x1024xi32, #tpu.memory_space<hbm>> -> memref<1x128xi32, #tpu.memory_space<hbm>>
            %dma_wait3A_296 = tpu.memref_slice %run_scoped3A_10[%rem3A_290] : memref<2x!tpu.dma_semaphore, #tpu.memory_space<semaphore_mem>> -> memref<1x!tpu.dma_semaphore, #tpu.memory_space<semaphore_mem>>
            %dma_wait3A_297 = tpu.memref_squeeze %dma_wait3A_296 : memref<1x!tpu.dma_semaphore, #tpu.memory_space<semaphore_mem>> -> memref<!tpu.dma_semaphore, #tpu.memory_space<semaphore_mem>>
            %dma_wait3A_298 = arith.constant 0 : i32
            %dma_wait3A_299 = arith.constant 0 : i32
            %dma_wait3A_300 = tpu.memref_slice %run_scoped3A[%rem3A_290, %dma_wait3A_298, %dma_wait3A_299] : memref<2x1x128xi32, #tpu.memory_space<vmem>> -> memref<1x1x128xi32, #tpu.memory_space<vmem>>
            %dma_wait3A_301 = tpu.memref_squeeze %dma_wait3A_300 : memref<1x1x128xi32, #tpu.memory_space<vmem>> -> memref<1x128xi32, #tpu.memory_space<vmem>>
            %dma_wait3A_302 = arith.constant 0 : i32
            %dma_wait3A_303 = tpu.memref_slice %arg3[%dma_wait3A_302, %mul3A_288] : memref<1x1024xi32, #tpu.memory_space<hbm>> -> memref<1x128xi32, #tpu.memory_space<hbm>>
            tpu.wait_dma2 semaphore(%dma_wait3A_297 : memref<!tpu.dma_semaphore, #tpu.memory_space<semaphore_mem>>) src(%dma_wait3A_303 : memref<1x128xi32, #tpu.memory_space<hbm>>) dst(%dma_wait3A_301 : memref<1x128xi32, #tpu.memory_space<vmem>>)
            "tpu.trace_stop"() : () -> ()
          } else {
          }
          %ne3A_209 = arith.cmpi ne, %add3A_148, %add3A_158 : i32
          %or3A_210 = arith.constant false
          %or3A_211 = arith.ori %or3A_210, %ne3A_209 : i1
          %or3A_212 = arith.constant false
          %or3A_213 = arith.ori %or3A_211, %or3A_212 : i1
          %or3A_214 = arith.ori %or3A_213, %eq3A_144 : i1
          %convert_element_type3A_215 = arith.extui %or3A_214 : i1 to i32
          %cond3A_216 = arith.constant 0 : i32
          %cond3A_217 = arith.cmpi ne, %convert_element_type3A_215, %cond3A_216 : i32
          scf.if %cond3A_217 {
          } else {
          }
          %rem3A_218 = arith.constant 2 : i32
          %rem3A_219 = arith.remui %while3A_137, %rem3A_218 : i32
          %rem3A_220 = arith.constant 2 : i32
          %rem3A_221 = arith.remui %while3A_138, %rem3A_220 : i32
          %run_scoped3A_222 = arith.constant 0 : i32
          "tpu.trace_start"() <{level = 10 : i32, message = "ep_run_kernel"}> : () -> ()
          "tpu.region"() ({
            %run_scoped3A_287 = tpu.sem_alloc : memref<!tpu.dma_semaphore, #tpu.memory_space<semaphore_mem>>
            %dma_start3A_288 = arith.constant 0 : i32
            %dma_start3A_289 = arith.constant 0 : i32
            %dma_start3A_290 = tpu.memref_slice %run_scoped3A_11[%rem3A_221, %dma_start3A_288, %dma_start3A_289] : memref<2x128x384xf32, #tpu.memory_space<vmem>> -> memref<1x128x384xf32, #tpu.memory_space<vmem>>
            %dma_start3A_291 = tpu.memref_squeeze %dma_start3A_290 : memref<1x128x384xf32, #tpu.memory_space<vmem>> -> memref<128x384xf32, #tpu.memory_space<vmem>>
            %dma_start3A_292 = arith.constant 0 : i32
            %dma_start3A_293 = arith.constant 0 : i32
            %dma_start3A_294 = tpu.memref_slice %run_scoped3A[%rem3A_219, %dma_start3A_292, %dma_start3A_293] : memref<2x1x128xi32, #tpu.memory_space<vmem>> -> memref<1x1x128xi32, #tpu.memory_space<vmem>>
            %dma_start3A_295 = tpu.memref_squeeze %dma_start3A_294 : memref<1x1x128xi32, #tpu.memory_space<vmem>> -> memref<1x128xi32, #tpu.memory_space<vmem>>
            %dma_start3A_296 = arith.constant 0 : i32
            %dma_start3A_297 = tpu.memref_slice %dma_start3A_295[%run_scoped3A_222, %dma_start3A_296] : memref<1x128xi32, #tpu.memory_space<vmem>> -> memref<1x128xi32, #tpu.memory_space<vmem>>
            %dma_start3A_298 = tpu.memref_squeeze %dma_start3A_297 : memref<1x128xi32, #tpu.memory_space<vmem>> -> memref<128xi32, #tpu.memory_space<vmem>>
            %dma_start3A_299 = arith.constant 0 : i32
            %dma_start3A_300 = arith.constant 0 : i32
            %dma_start3A_301 = tpu.memref_slice %arg2[%dma_start3A_299, %dma_start3A_300] : memref<16384x384xf32, #tpu.memory_space<hbm>> -> memref<16384x384xf32, #tpu.memory_space<hbm>>
            tpu.enqueue_indirect_dma source(%dma_start3A_301 : memref<16384x384xf32, #tpu.memory_space<hbm>>) target(%dma_start3A_291 : memref<128x384xf32, #tpu.memory_space<vmem>>) offsets(%dma_start3A_298 : memref<128xi32, #tpu.memory_space<vmem>>) semaphore(%run_scoped3A_287 : memref<!tpu.dma_semaphore, #tpu.memory_space<semaphore_mem>>)
            %dma_wait3A = arith.constant 0 : i32
            %dma_wait3A_302 = arith.constant 0 : i32
            %dma_wait3A_303 = tpu.memref_slice %run_scoped3A_11[%rem3A_221, %dma_wait3A, %dma_wait3A_302] : memref<2x128x384xf32, #tpu.memory_space<vmem>> -> memref<1x128x384xf32, #tpu.memory_space<vmem>>
            %dma_wait3A_304 = tpu.memref_squeeze %dma_wait3A_303 : memref<1x128x384xf32, #tpu.memory_space<vmem>> -> memref<128x384xf32, #tpu.memory_space<vmem>>
            %dma_wait3A_305 = arith.constant 0 : i32
            %dma_wait3A_306 = arith.constant 0 : i32
            %dma_wait3A_307 = tpu.memref_slice %run_scoped3A[%rem3A_219, %dma_wait3A_305, %dma_wait3A_306] : memref<2x1x128xi32, #tpu.memory_space<vmem>> -> memref<1x1x128xi32, #tpu.memory_space<vmem>>
            %dma_wait3A_308 = tpu.memref_squeeze %dma_wait3A_307 : memref<1x1x128xi32, #tpu.memory_space<vmem>> -> memref<1x128xi32, #tpu.memory_space<vmem>>
            %dma_wait3A_309 = arith.constant 0 : i32
            %dma_wait3A_310 = tpu.memref_slice %dma_wait3A_308[%run_scoped3A_222, %dma_wait3A_309] : memref<1x128xi32, #tpu.memory_space<vmem>> -> memref<1x128xi32, #tpu.memory_space<vmem>>
            %dma_wait3A_311 = tpu.memref_squeeze %dma_wait3A_310 : memref<1x128xi32, #tpu.memory_space<vmem>> -> memref<128xi32, #tpu.memory_space<vmem>>
            %dma_wait3A_312 = arith.constant 0 : i32
            %dma_wait3A_313 = arith.constant 0 : i32
            %dma_wait3A_314 = tpu.memref_slice %arg2[%dma_wait3A_312, %dma_wait3A_313] : memref<16384x384xf32, #tpu.memory_space<hbm>> -> memref<16384x384xf32, #tpu.memory_space<hbm>>
            tpu.wait_indirect_dma semaphore(%run_scoped3A_287 : memref<!tpu.dma_semaphore, #tpu.memory_space<semaphore_mem>>) src(%dma_wait3A_314 : memref<16384x384xf32, #tpu.memory_space<hbm>>) dst(%dma_wait3A_304 : memref<128x384xf32, #tpu.memory_space<vmem>>)
            tpu.yield
          }) : () -> ()
          "tpu.trace_stop"() : () -> ()
          %ne3A_223 = arith.cmpi ne, %add3A_148, %add3A_166 : i32
          %or3A_224 = arith.constant false
          %or3A_225 = arith.ori %or3A_224, %ne3A_223 : i1
          %or3A_226 = arith.ori %or3A_225, %eq3A_147 : i1
          %convert_element_type3A_227 = arith.extui %or3A_226 : i1 to i32
          %cond3A_228 = arith.constant 0 : i32
          %cond3A_229 = arith.cmpi ne, %convert_element_type3A_227, %cond3A_228 : i32
          scf.if %cond3A_229 {
          } else {
          }
          %and3A_230 = arith.constant false
          %and3A_231 = arith.andi %or3A_226, %and3A_230 : i1
          %ne3A_232 = arith.cmpi ne, %add3A_148, %add3A_166 : i32
          %or3A_233 = arith.constant false
          %or3A_234 = arith.ori %or3A_233, %ne3A_232 : i1
          %or3A_235 = arith.constant false
          %or3A_236 = arith.ori %or3A_234, %or3A_235 : i1
          %or3A_237 = arith.ori %or3A_236, %eq3A_147 : i1
          %convert_element_type3A_238 = arith.extui %or3A_237 : i1 to i32
          %cond3A_239 = arith.constant 0 : i32
          %cond3A_240 = arith.cmpi ne, %convert_element_type3A_238, %cond3A_239 : i32
          scf.if %cond3A_240 {
            "tpu.trace_start"() <{level = 10 : i32, message = "ep_copy_out"}> : () -> ()
            %rem3A_287 = arith.constant 2 : i32
            %rem3A_288 = arith.remui %while3A_138, %rem3A_287 : i32
            %mul3A_289 = arith.constant 128 : i32
            %mul3A_290 = arith.muli %mul3A_289, %add3A_148 : i32
            %dma_start3A_291 = arith.constant 0 : i32
            %dma_start3A_292 = arith.constant 0 : i32
            %dma_start3A_293 = tpu.memref_slice %run_scoped3A_11[%rem3A_288, %dma_start3A_291, %dma_start3A_292] : memref<2x128x384xf32, #tpu.memory_space<vmem>> -> memref<1x128x384xf32, #tpu.memory_space<vmem>>
            %dma_start3A_294 = tpu.memref_squeeze %dma_start3A_293 : memref<1x128x384xf32, #tpu.memory_space<vmem>> -> memref<128x384xf32, #tpu.memory_space<vmem>>
            %dma_start3A_295 = arith.constant 0 : i32
            %dma_start3A_296 = tpu.memref_slice %arg4[%mul3A_290, %dma_start3A_295] : memref<1024x384xf32, #tpu.memory_space<hbm>> -> memref<128x384xf32, #tpu.memory_space<hbm>>
            %dma_start3A_297 = tpu.memref_slice %run_scoped3A_12[%rem3A_288] : memref<2x!tpu.dma_semaphore, #tpu.memory_space<semaphore_mem>> -> memref<1x!tpu.dma_semaphore, #tpu.memory_space<semaphore_mem>>
            %dma_start3A_298 = tpu.memref_squeeze %dma_start3A_297 : memref<1x!tpu.dma_semaphore, #tpu.memory_space<semaphore_mem>> -> memref<!tpu.dma_semaphore, #tpu.memory_space<semaphore_mem>>
            %dma_start3A_299 = arith.constant 0 : i32
            %dma_start3A_300 = tpu.memref_slice %arg4[%mul3A_290, %dma_start3A_299] : memref<1024x384xf32, #tpu.memory_space<hbm>> -> memref<128x384xf32, #tpu.memory_space<hbm>>
            %dma_start3A_301 = arith.constant 0 : i32
            %dma_start3A_302 = arith.constant 0 : i32
            %dma_start3A_303 = tpu.memref_slice %run_scoped3A_11[%rem3A_288, %dma_start3A_301, %dma_start3A_302] : memref<2x128x384xf32, #tpu.memory_space<vmem>> -> memref<1x128x384xf32, #tpu.memory_space<vmem>>
            %dma_start3A_304 = tpu.memref_squeeze %dma_start3A_303 : memref<1x128x384xf32, #tpu.memory_space<vmem>> -> memref<128x384xf32, #tpu.memory_space<vmem>>
            tpu.enqueue_dma source(%dma_start3A_304 : memref<128x384xf32, #tpu.memory_space<vmem>>) target(%dma_start3A_300 : memref<128x384xf32, #tpu.memory_space<hbm>>) target_semaphore(%dma_start3A_298 : memref<!tpu.dma_semaphore, #tpu.memory_space<semaphore_mem>>)
            "tpu.trace_stop"() : () -> ()
          } else {
          }
          %and3A_241 = arith.constant true
          %and3A_242 = arith.andi %or3A_237, %and3A_241 : i1
          %add3A_243 = arith.constant 1 : i32
          %add3A_244 = arith.addi %while3A_138, %add3A_243 : i32
          %select_n3A_245 = arith.select %and3A_242, %add3A_244, %while3A_138 : i32
          %ne3A_246 = arith.cmpi ne, %add3A_148, %add3A_158 : i32
          %or3A_247 = arith.constant false
          %or3A_248 = arith.ori %or3A_247, %ne3A_246 : i1
          %not3A_249 = arith.constant true
          %not3A_250 = arith.xori %eq3A_144, %not3A_249 : i1
          %and3A_251 = arith.andi %or3A_248, %not3A_250 : i1
          %convert_element_type3A_252 = arith.extui %and3A_251 : i1 to i32
          %cond3A_253 = arith.constant 0 : i32
          %cond3A_254 = arith.cmpi ne, %convert_element_type3A_252, %cond3A_253 : i32
          scf.if %cond3A_254 {
          } else {
          }
          %and3A_255 = arith.constant false
          %and3A_256 = arith.andi %and3A_251, %and3A_255 : i1
          %ne3A_257 = arith.cmpi ne, %add3A_148, %add3A_158 : i32
          %or3A_258 = arith.constant false
          %or3A_259 = arith.ori %or3A_258, %ne3A_257 : i1
          %or3A_260 = arith.constant false
          %or3A_261 = arith.ori %or3A_259, %or3A_260 : i1
          %not3A_262 = arith.constant true
          %not3A_263 = arith.xori %eq3A_144, %not3A_262 : i1
          %and3A_264 = arith.andi %or3A_261, %not3A_263 : i1
          %convert_element_type3A_265 = arith.extui %and3A_264 : i1 to i32
          %cond3A_266 = arith.constant 0 : i32
          %cond3A_267 = arith.cmpi ne, %convert_element_type3A_265, %cond3A_266 : i32
          scf.if %cond3A_267 {
            "tpu.trace_start"() <{level = 10 : i32, message = "ep_wait_out"}> : () -> ()
            %rem3A_287 = arith.constant 2 : i32
            %rem3A_288 = arith.remui %while3A_139, %rem3A_287 : i32
            %mul3A_289 = arith.constant 128 : i32
            %mul3A_290 = arith.muli %mul3A_289, %add3A_158 : i32
            %dma_wait3A = arith.constant 0 : i32
            %dma_wait3A_291 = arith.constant 0 : i32
            %dma_wait3A_292 = tpu.memref_slice %run_scoped3A_11[%rem3A_288, %dma_wait3A, %dma_wait3A_291] : memref<2x128x384xf32, #tpu.memory_space<vmem>> -> memref<1x128x384xf32, #tpu.memory_space<vmem>>
            %dma_wait3A_293 = tpu.memref_squeeze %dma_wait3A_292 : memref<1x128x384xf32, #tpu.memory_space<vmem>> -> memref<128x384xf32, #tpu.memory_space<vmem>>
            %dma_wait3A_294 = arith.constant 0 : i32
            %dma_wait3A_295 = tpu.memref_slice %arg4[%mul3A_290, %dma_wait3A_294] : memref<1024x384xf32, #tpu.memory_space<hbm>> -> memref<128x384xf32, #tpu.memory_space<hbm>>
            %dma_wait3A_296 = tpu.memref_slice %run_scoped3A_12[%rem3A_288] : memref<2x!tpu.dma_semaphore, #tpu.memory_space<semaphore_mem>> -> memref<1x!tpu.dma_semaphore, #tpu.memory_space<semaphore_mem>>
            %dma_wait3A_297 = tpu.memref_squeeze %dma_wait3A_296 : memref<1x!tpu.dma_semaphore, #tpu.memory_space<semaphore_mem>> -> memref<!tpu.dma_semaphore, #tpu.memory_space<semaphore_mem>>
            %dma_wait3A_298 = arith.constant 0 : i32
            %dma_wait3A_299 = tpu.memref_slice %arg4[%mul3A_290, %dma_wait3A_298] : memref<1024x384xf32, #tpu.memory_space<hbm>> -> memref<128x384xf32, #tpu.memory_space<hbm>>
            %dma_wait3A_300 = arith.constant 0 : i32
            %dma_wait3A_301 = arith.constant 0 : i32
            %dma_wait3A_302 = tpu.memref_slice %run_scoped3A_11[%rem3A_288, %dma_wait3A_300, %dma_wait3A_301] : memref<2x128x384xf32, #tpu.memory_space<vmem>> -> memref<1x128x384xf32, #tpu.memory_space<vmem>>
            %dma_wait3A_303 = tpu.memref_squeeze %dma_wait3A_302 : memref<1x128x384xf32, #tpu.memory_space<vmem>> -> memref<128x384xf32, #tpu.memory_space<vmem>>
            tpu.wait_dma2 semaphore(%dma_wait3A_297 : memref<!tpu.dma_semaphore, #tpu.memory_space<semaphore_mem>>) src(%dma_wait3A_303 : memref<128x384xf32, #tpu.memory_space<vmem>>) dst(%dma_wait3A_299 : memref<128x384xf32, #tpu.memory_space<hbm>>)
            "tpu.trace_stop"() : () -> ()
          } else {
          }
          %and3A_268 = arith.constant true
          %and3A_269 = arith.andi %and3A_264, %and3A_268 : i1
          %add3A_270 = arith.constant 1 : i32
          %add3A_271 = arith.addi %while3A_139, %add3A_270 : i32
          %select_n3A_272 = arith.select %and3A_269, %add3A_271, %while3A_139 : i32
          %ne3A_273 = arith.cmpi ne, %add3A_148, %add3A_166 : i32
          %or3A_274 = arith.constant false
          %or3A_275 = arith.ori %or3A_274, %ne3A_273 : i1
          %or3A_276 = arith.ori %or3A_275, %eq3A_147 : i1
          %add3A_277 = arith.constant 1 : i32
          %add3A_278 = arith.addi %while3A_137, %add3A_277 : i32
          %select_n3A_279 = arith.select %or3A_276, %add3A_278, %while3A_137 : i32
          %add3A_280 = arith.constant 1 : i32
          %add3A_281 = arith.addi %while3A_140, %add3A_280 : i32
          %select_n3A_282 = arith.constant true
          %select_n3A_283 = arith.select %select_n3A_282, %add3A_281, %while3A_140 : i32
          %eq3A_284 = arith.cmpi eq, %select_n3A_283, %select_n3A : i32
          %select_n3A_285 = arith.constant 0 : i32
          %select_n3A_286 = arith.select %eq3A_284, %select_n3A_285, %select_n3A_283 : i32
          scf.yield %select_n3A_188, %select_n3A_279, %select_n3A_245, %select_n3A_272, %select_n3A_286 : i32, i32, i32, i32, i32
        }
        %while3A_82 = arith.constant 1 : i32
        %while3A_83:5 = scf.for %while3A_135 = %while3A_79 to %while3A_75 step %while3A_82 iter_args(%while3A_136 = %while3A_81#0, %while3A_137 = %while3A_81#1, %while3A_138 = %while3A_81#2, %while3A_139 = %while3A_81#3, %while3A_140 = %while3A_81#4) -> (i32, i32, i32, i32, i32)  : i32 {
          %mul3A_141 = arith.constant 1 : i32
          %mul3A_142 = arith.muli %mul3A_141, %select_n3A : i32
          %eq3A_143 = arith.constant 0 : i32
          %eq3A_144 = arith.cmpi eq, %while3A_135, %eq3A_143 : i32
          %sub3A_145 = arith.constant 1 : i32
          %sub3A_146 = arith.subi %mul3A_142, %sub3A_145 : i32
          %eq3A_147 = arith.cmpi eq, %while3A_135, %sub3A_146 : i32
          %add3A_148 = arith.addi %while3A_140, %select_n3A_7 : i32
          %sub3A_149 = arith.constant 1 : i32
          %sub3A_150 = arith.subi %while3A_140, %sub3A_149 : i32
          %select_n3A_151 = arith.constant true
          %select_n3A_152 = arith.select %select_n3A_151, %sub3A_150, %while3A_140 : i32
          %eq3A_153 = arith.constant -1 : i32
          %eq3A_154 = arith.cmpi eq, %select_n3A_152, %eq3A_153 : i32
          %sub3A_155 = arith.constant 1 : i32
          %sub3A_156 = arith.subi %select_n3A, %sub3A_155 : i32
          %select_n3A_157 = arith.select %eq3A_154, %sub3A_156, %select_n3A_152 : i32
          %add3A_158 = arith.addi %select_n3A_157, %select_n3A_7 : i32
          %add3A_159 = arith.constant 1 : i32
          %add3A_160 = arith.addi %while3A_140, %add3A_159 : i32
          %select_n3A_161 = arith.constant true
          %select_n3A_162 = arith.select %select_n3A_161, %add3A_160, %while3A_140 : i32
          %eq3A_163 = arith.cmpi eq, %select_n3A_162, %select_n3A : i32
          %select_n3A_164 = arith.constant 0 : i32
          %select_n3A_165 = arith.select %eq3A_163, %select_n3A_164, %select_n3A_162 : i32
          %add3A_166 = arith.addi %select_n3A_165, %select_n3A_7 : i32
          %add3A_167 = arith.constant 1 : i32
          %add3A_168 = arith.addi %select_n3A_165, %add3A_167 : i32
          %select_n3A_169 = arith.constant true
          %select_n3A_170 = arith.select %select_n3A_169, %add3A_168, %select_n3A_165 : i32
          %eq3A_171 = arith.cmpi eq, %select_n3A_170, %select_n3A : i32
          %select_n3A_172 = arith.constant 0 : i32
          %select_n3A_173 = arith.select %eq3A_171, %select_n3A_172, %select_n3A_170 : i32
          %add3A_174 = arith.addi %select_n3A_173, %select_n3A_7 : i32
          %ne3A = arith.cmpi ne, %add3A_148, %add3A_166 : i32
          %or3A = arith.constant false
          %or3A_175 = arith.ori %or3A, %ne3A : i1
          %sub3A_176 = arith.constant 2 : i32
          %sub3A_177 = arith.subi %mul3A_142, %sub3A_176 : i32
          %add3A_178 = arith.constant 1 : i32
          %add3A_179 = arith.addi %sub3A_177, %add3A_178 : i32
          %ge3A = arith.cmpi sge, %while3A_135, %add3A_179 : i32
          %not3A = arith.constant true
          %not3A_180 = arith.xori %ge3A, %not3A : i1
          %and3A = arith.andi %or3A_175, %not3A_180 : i1
          %convert_element_type3A_181 = arith.extui %and3A : i1 to i32
          %cond3A_182 = arith.constant 0 : i32
          %cond3A_183 = arith.cmpi ne, %convert_element_type3A_181, %cond3A_182 : i32
          scf.if %cond3A_183 {
            "tpu.trace_start"() <{level = 10 : i32, message = "ep_copy_in"}> : () -> ()
            %rem3A_287 = arith.constant 2 : i32
            %rem3A_288 = arith.remui %while3A_136, %rem3A_287 : i32
            %mul3A_289 = arith.constant 128 : i32
            %mul3A_290 = arith.muli %mul3A_289, %add3A_166 : i32
            %dma_start3A_291 = arith.constant 0 : i32
            %dma_start3A_292 = arith.constant 0 : i32
            %dma_start3A_293 = tpu.memref_slice %run_scoped3A[%rem3A_288, %dma_start3A_291, %dma_start3A_292] : memref<2x1x128xi32, #tpu.memory_space<vmem>> -> memref<1x1x128xi32, #tpu.memory_space<vmem>>
            %dma_start3A_294 = tpu.memref_squeeze %dma_start3A_293 : memref<1x1x128xi32, #tpu.memory_space<vmem>> -> memref<1x128xi32, #tpu.memory_space<vmem>>
            %dma_start3A_295 = arith.constant 0 : i32
            %dma_start3A_296 = tpu.memref_slice %arg3[%dma_start3A_295, %mul3A_290] : memref<1x1024xi32, #tpu.memory_space<hbm>> -> memref<1x128xi32, #tpu.memory_space<hbm>>
            %dma_start3A_297 = tpu.memref_slice %run_scoped3A_10[%rem3A_288] : memref<2x!tpu.dma_semaphore, #tpu.memory_space<semaphore_mem>> -> memref<1x!tpu.dma_semaphore, #tpu.memory_space<semaphore_mem>>
            %dma_start3A_298 = tpu.memref_squeeze %dma_start3A_297 : memref<1x!tpu.dma_semaphore, #tpu.memory_space<semaphore_mem>> -> memref<!tpu.dma_semaphore, #tpu.memory_space<semaphore_mem>>
            %dma_start3A_299 = arith.constant 0 : i32
            %dma_start3A_300 = arith.constant 0 : i32
            %dma_start3A_301 = tpu.memref_slice %run_scoped3A[%rem3A_288, %dma_start3A_299, %dma_start3A_300] : memref<2x1x128xi32, #tpu.memory_space<vmem>> -> memref<1x1x128xi32, #tpu.memory_space<vmem>>
            %dma_start3A_302 = tpu.memref_squeeze %dma_start3A_301 : memref<1x1x128xi32, #tpu.memory_space<vmem>> -> memref<1x128xi32, #tpu.memory_space<vmem>>
            %dma_start3A_303 = arith.constant 0 : i32
            %dma_start3A_304 = tpu.memref_slice %arg3[%dma_start3A_303, %mul3A_290] : memref<1x1024xi32, #tpu.memory_space<hbm>> -> memref<1x128xi32, #tpu.memory_space<hbm>>
            tpu.enqueue_dma source(%dma_start3A_304 : memref<1x128xi32, #tpu.memory_space<hbm>>) target(%dma_start3A_302 : memref<1x128xi32, #tpu.memory_space<vmem>>) target_semaphore(%dma_start3A_298 : memref<!tpu.dma_semaphore, #tpu.memory_space<semaphore_mem>>)
            "tpu.trace_stop"() : () -> ()
          } else {
          }
          %and3A_184 = arith.constant true
          %and3A_185 = arith.andi %and3A, %and3A_184 : i1
          %add3A_186 = arith.constant 1 : i32
          %add3A_187 = arith.addi %while3A_136, %add3A_186 : i32
          %select_n3A_188 = arith.select %and3A_185, %add3A_187, %while3A_136 : i32
          %ne3A_189 = arith.cmpi ne, %add3A_148, %add3A_166 : i32
          %or3A_190 = arith.constant false
          %or3A_191 = arith.ori %or3A_190, %ne3A_189 : i1
          %or3A_192 = arith.constant false
          %or3A_193 = arith.ori %or3A_191, %or3A_192 : i1
          %sub3A_194 = arith.constant 2 : i32
          %sub3A_195 = arith.subi %mul3A_142, %sub3A_194 : i32
          %add3A_196 = arith.constant 1 : i32
          %add3A_197 = arith.addi %sub3A_195, %add3A_196 : i32
          %ge3A_198 = arith.cmpi sge, %while3A_135, %add3A_197 : i32
          %not3A_199 = arith.constant true
          %not3A_200 = arith.xori %ge3A_198, %not3A_199 : i1
          %and3A_201 = arith.andi %or3A_193, %not3A_200 : i1
          %ne3A_202 = arith.cmpi ne, %add3A_148, %add3A_158 : i32
          %or3A_203 = arith.constant false
          %or3A_204 = arith.ori %or3A_203, %ne3A_202 : i1
          %or3A_205 = arith.ori %or3A_204, %eq3A_144 : i1
          %convert_element_type3A_206 = arith.extui %or3A_205 : i1 to i32
          %cond3A_207 = arith.constant 0 : i32
          %cond3A_208 = arith.cmpi ne, %convert_element_type3A_206, %cond3A_207 : i32
          scf.if %cond3A_208 {
            "tpu.trace_start"() <{level = 10 : i32, message = "ep_wait_in"}> : () -> ()
            %mul3A_287 = arith.constant 128 : i32
            %mul3A_288 = arith.muli %mul3A_287, %add3A_148 : i32
            %rem3A_289 = arith.constant 2 : i32
            %rem3A_290 = arith.remui %while3A_137, %rem3A_289 : i32
            %dma_wait3A = arith.constant 0 : i32
            %dma_wait3A_291 = arith.constant 0 : i32
            %dma_wait3A_292 = tpu.memref_slice %run_scoped3A[%rem3A_290, %dma_wait3A, %dma_wait3A_291] : memref<2x1x128xi32, #tpu.memory_space<vmem>> -> memref<1x1x128xi32, #tpu.memory_space<vmem>>
            %dma_wait3A_293 = tpu.memref_squeeze %dma_wait3A_292 : memref<1x1x128xi32, #tpu.memory_space<vmem>> -> memref<1x128xi32, #tpu.memory_space<vmem>>
            %dma_wait3A_294 = arith.constant 0 : i32
            %dma_wait3A_295 = tpu.memref_slice %arg3[%dma_wait3A_294, %mul3A_288] : memref<1x1024xi32, #tpu.memory_space<hbm>> -> memref<1x128xi32, #tpu.memory_space<hbm>>
            %dma_wait3A_296 = tpu.memref_slice %run_scoped3A_10[%rem3A_290] : memref<2x!tpu.dma_semaphore, #tpu.memory_space<semaphore_mem>> -> memref<1x!tpu.dma_semaphore, #tpu.memory_space<semaphore_mem>>
            %dma_wait3A_297 = tpu.memref_squeeze %dma_wait3A_296 : memref<1x!tpu.dma_semaphore, #tpu.memory_space<semaphore_mem>> -> memref<!tpu.dma_semaphore, #tpu.memory_space<semaphore_mem>>
            %dma_wait3A_298 = arith.constant 0 : i32
            %dma_wait3A_299 = arith.constant 0 : i32
            %dma_wait3A_300 = tpu.memref_slice %run_scoped3A[%rem3A_290, %dma_wait3A_298, %dma_wait3A_299] : memref<2x1x128xi32, #tpu.memory_space<vmem>> -> memref<1x1x128xi32, #tpu.memory_space<vmem>>
            %dma_wait3A_301 = tpu.memref_squeeze %dma_wait3A_300 : memref<1x1x128xi32, #tpu.memory_space<vmem>> -> memref<1x128xi32, #tpu.memory_space<vmem>>
            %dma_wait3A_302 = arith.constant 0 : i32
            %dma_wait3A_303 = tpu.memref_slice %arg3[%dma_wait3A_302, %mul3A_288] : memref<1x1024xi32, #tpu.memory_space<hbm>> -> memref<1x128xi32, #tpu.memory_space<hbm>>
            tpu.wait_dma2 semaphore(%dma_wait3A_297 : memref<!tpu.dma_semaphore, #tpu.memory_space<semaphore_mem>>) src(%dma_wait3A_303 : memref<1x128xi32, #tpu.memory_space<hbm>>) dst(%dma_wait3A_301 : memref<1x128xi32, #tpu.memory_space<vmem>>)
            "tpu.trace_stop"() : () -> ()
          } else {
          }
          %ne3A_209 = arith.cmpi ne, %add3A_148, %add3A_158 : i32
          %or3A_210 = arith.constant false
          %or3A_211 = arith.ori %or3A_210, %ne3A_209 : i1
          %or3A_212 = arith.constant false
          %or3A_213 = arith.ori %or3A_211, %or3A_212 : i1
          %or3A_214 = arith.ori %or3A_213, %eq3A_144 : i1
          %convert_element_type3A_215 = arith.extui %or3A_214 : i1 to i32
          %cond3A_216 = arith.constant 0 : i32
          %cond3A_217 = arith.cmpi ne, %convert_element_type3A_215, %cond3A_216 : i32
          scf.if %cond3A_217 {
          } else {
          }
          %rem3A_218 = arith.constant 2 : i32
          %rem3A_219 = arith.remui %while3A_137, %rem3A_218 : i32
          %rem3A_220 = arith.constant 2 : i32
          %rem3A_221 = arith.remui %while3A_138, %rem3A_220 : i32
          %run_scoped3A_222 = arith.constant 0 : i32
          "tpu.trace_start"() <{level = 10 : i32, message = "ep_run_kernel"}> : () -> ()
          "tpu.region"() ({
            %run_scoped3A_287 = tpu.sem_alloc : memref<!tpu.dma_semaphore, #tpu.memory_space<semaphore_mem>>
            %dma_start3A_288 = arith.constant 0 : i32
            %dma_start3A_289 = arith.constant 0 : i32
            %dma_start3A_290 = tpu.memref_slice %run_scoped3A_11[%rem3A_221, %dma_start3A_288, %dma_start3A_289] : memref<2x128x384xf32, #tpu.memory_space<vmem>> -> memref<1x128x384xf32, #tpu.memory_space<vmem>>
            %dma_start3A_291 = tpu.memref_squeeze %dma_start3A_290 : memref<1x128x384xf32, #tpu.memory_space<vmem>> -> memref<128x384xf32, #tpu.memory_space<vmem>>
            %dma_start3A_292 = arith.constant 0 : i32
            %dma_start3A_293 = arith.constant 0 : i32
            %dma_start3A_294 = tpu.memref_slice %run_scoped3A[%rem3A_219, %dma_start3A_292, %dma_start3A_293] : memref<2x1x128xi32, #tpu.memory_space<vmem>> -> memref<1x1x128xi32, #tpu.memory_space<vmem>>
            %dma_start3A_295 = tpu.memref_squeeze %dma_start3A_294 : memref<1x1x128xi32, #tpu.memory_space<vmem>> -> memref<1x128xi32, #tpu.memory_space<vmem>>
            %dma_start3A_296 = arith.constant 0 : i32
            %dma_start3A_297 = tpu.memref_slice %dma_start3A_295[%run_scoped3A_222, %dma_start3A_296] : memref<1x128xi32, #tpu.memory_space<vmem>> -> memref<1x128xi32, #tpu.memory_space<vmem>>
            %dma_start3A_298 = tpu.memref_squeeze %dma_start3A_297 : memref<1x128xi32, #tpu.memory_space<vmem>> -> memref<128xi32, #tpu.memory_space<vmem>>
            %dma_start3A_299 = arith.constant 0 : i32
            %dma_start3A_300 = arith.constant 0 : i32
            %dma_start3A_301 = tpu.memref_slice %arg2[%dma_start3A_299, %dma_start3A_300] : memref<16384x384xf32, #tpu.memory_space<hbm>> -> memref<16384x384xf32, #tpu.memory_space<hbm>>
            tpu.enqueue_indirect_dma source(%dma_start3A_301 : memref<16384x384xf32, #tpu.memory_space<hbm>>) target(%dma_start3A_291 : memref<128x384xf32, #tpu.memory_space<vmem>>) offsets(%dma_start3A_298 : memref<128xi32, #tpu.memory_space<vmem>>) semaphore(%run_scoped3A_287 : memref<!tpu.dma_semaphore, #tpu.memory_space<semaphore_mem>>)
            %dma_wait3A = arith.constant 0 : i32
            %dma_wait3A_302 = arith.constant 0 : i32
            %dma_wait3A_303 = tpu.memref_slice %run_scoped3A_11[%rem3A_221, %dma_wait3A, %dma_wait3A_302] : memref<2x128x384xf32, #tpu.memory_space<vmem>> -> memref<1x128x384xf32, #tpu.memory_space<vmem>>
            %dma_wait3A_304 = tpu.memref_squeeze %dma_wait3A_303 : memref<1x128x384xf32, #tpu.memory_space<vmem>> -> memref<128x384xf32, #tpu.memory_space<vmem>>
            %dma_wait3A_305 = arith.constant 0 : i32
            %dma_wait3A_306 = arith.constant 0 : i32
            %dma_wait3A_307 = tpu.memref_slice %run_scoped3A[%rem3A_219, %dma_wait3A_305, %dma_wait3A_306] : memref<2x1x128xi32, #tpu.memory_space<vmem>> -> memref<1x1x128xi32, #tpu.memory_space<vmem>>
            %dma_wait3A_308 = tpu.memref_squeeze %dma_wait3A_307 : memref<1x1x128xi32, #tpu.memory_space<vmem>> -> memref<1x128xi32, #tpu.memory_space<vmem>>
            %dma_wait3A_309 = arith.constant 0 : i32
            %dma_wait3A_310 = tpu.memref_slice %dma_wait3A_308[%run_scoped3A_222, %dma_wait3A_309] : memref<1x128xi32, #tpu.memory_space<vmem>> -> memref<1x128xi32, #tpu.memory_space<vmem>>
            %dma_wait3A_311 = tpu.memref_squeeze %dma_wait3A_310 : memref<1x128xi32, #tpu.memory_space<vmem>> -> memref<128xi32, #tpu.memory_space<vmem>>
            %dma_wait3A_312 = arith.constant 0 : i32
            %dma_wait3A_313 = arith.constant 0 : i32
            %dma_wait3A_314 = tpu.memref_slice %arg2[%dma_wait3A_312, %dma_wait3A_313] : memref<16384x384xf32, #tpu.memory_space<hbm>> -> memref<16384x384xf32, #tpu.memory_space<hbm>>
            tpu.wait_indirect_dma semaphore(%run_scoped3A_287 : memref<!tpu.dma_semaphore, #tpu.memory_space<semaphore_mem>>) src(%dma_wait3A_314 : memref<16384x384xf32, #tpu.memory_space<hbm>>) dst(%dma_wait3A_304 : memref<128x384xf32, #tpu.memory_space<vmem>>)
            tpu.yield
          }) : () -> ()
          "tpu.trace_stop"() : () -> ()
          %ne3A_223 = arith.cmpi ne, %add3A_148, %add3A_166 : i32
          %or3A_224 = arith.constant false
          %or3A_225 = arith.ori %or3A_224, %ne3A_223 : i1
          %or3A_226 = arith.ori %or3A_225, %eq3A_147 : i1
          %convert_element_type3A_227 = arith.extui %or3A_226 : i1 to i32
          %cond3A_228 = arith.constant 0 : i32
          %cond3A_229 = arith.cmpi ne, %convert_element_type3A_227, %cond3A_228 : i32
          scf.if %cond3A_229 {
          } else {
          }
          %and3A_230 = arith.constant false
          %and3A_231 = arith.andi %or3A_226, %and3A_230 : i1
          %ne3A_232 = arith.cmpi ne, %add3A_148, %add3A_166 : i32
          %or3A_233 = arith.constant false
          %or3A_234 = arith.ori %or3A_233, %ne3A_232 : i1
          %or3A_235 = arith.constant false
          %or3A_236 = arith.ori %or3A_234, %or3A_235 : i1
          %or3A_237 = arith.ori %or3A_236, %eq3A_147 : i1
          %convert_element_type3A_238 = arith.extui %or3A_237 : i1 to i32
          %cond3A_239 = arith.constant 0 : i32
          %cond3A_240 = arith.cmpi ne, %convert_element_type3A_238, %cond3A_239 : i32
          scf.if %cond3A_240 {
            "tpu.trace_start"() <{level = 10 : i32, message = "ep_copy_out"}> : () -> ()
            %rem3A_287 = arith.constant 2 : i32
            %rem3A_288 = arith.remui %while3A_138, %rem3A_287 : i32
            %mul3A_289 = arith.constant 128 : i32
            %mul3A_290 = arith.muli %mul3A_289, %add3A_148 : i32
            %dma_start3A_291 = arith.constant 0 : i32
            %dma_start3A_292 = arith.constant 0 : i32
            %dma_start3A_293 = tpu.memref_slice %run_scoped3A_11[%rem3A_288, %dma_start3A_291, %dma_start3A_292] : memref<2x128x384xf32, #tpu.memory_space<vmem>> -> memref<1x128x384xf32, #tpu.memory_space<vmem>>
            %dma_start3A_294 = tpu.memref_squeeze %dma_start3A_293 : memref<1x128x384xf32, #tpu.memory_space<vmem>> -> memref<128x384xf32, #tpu.memory_space<vmem>>
            %dma_start3A_295 = arith.constant 0 : i32
            %dma_start3A_296 = tpu.memref_slice %arg4[%mul3A_290, %dma_start3A_295] : memref<1024x384xf32, #tpu.memory_space<hbm>> -> memref<128x384xf32, #tpu.memory_space<hbm>>
            %dma_start3A_297 = tpu.memref_slice %run_scoped3A_12[%rem3A_288] : memref<2x!tpu.dma_semaphore, #tpu.memory_space<semaphore_mem>> -> memref<1x!tpu.dma_semaphore, #tpu.memory_space<semaphore_mem>>
            %dma_start3A_298 = tpu.memref_squeeze %dma_start3A_297 : memref<1x!tpu.dma_semaphore, #tpu.memory_space<semaphore_mem>> -> memref<!tpu.dma_semaphore, #tpu.memory_space<semaphore_mem>>
            %dma_start3A_299 = arith.constant 0 : i32
            %dma_start3A_300 = tpu.memref_slice %arg4[%mul3A_290, %dma_start3A_299] : memref<1024x384xf32, #tpu.memory_space<hbm>> -> memref<128x384xf32, #tpu.memory_space<hbm>>
            %dma_start3A_301 = arith.constant 0 : i32
            %dma_start3A_302 = arith.constant 0 : i32
            %dma_start3A_303 = tpu.memref_slice %run_scoped3A_11[%rem3A_288, %dma_start3A_301, %dma_start3A_302] : memref<2x128x384xf32, #tpu.memory_space<vmem>> -> memref<1x128x384xf32, #tpu.memory_space<vmem>>
            %dma_start3A_304 = tpu.memref_squeeze %dma_start3A_303 : memref<1x128x384xf32, #tpu.memory_space<vmem>> -> memref<128x384xf32, #tpu.memory_space<vmem>>
            tpu.enqueue_dma source(%dma_start3A_304 : memref<128x384xf32, #tpu.memory_space<vmem>>) target(%dma_start3A_300 : memref<128x384xf32, #tpu.memory_space<hbm>>) target_semaphore(%dma_start3A_298 : memref<!tpu.dma_semaphore, #tpu.memory_space<semaphore_mem>>)
            "tpu.trace_stop"() : () -> ()
          } else {
          }
          %and3A_241 = arith.constant true
          %and3A_242 = arith.andi %or3A_237, %and3A_241 : i1
          %add3A_243 = arith.constant 1 : i32
          %add3A_244 = arith.addi %while3A_138, %add3A_243 : i32
          %select_n3A_245 = arith.select %and3A_242, %add3A_244, %while3A_138 : i32
          %ne3A_246 = arith.cmpi ne, %add3A_148, %add3A_158 : i32
          %or3A_247 = arith.constant false
          %or3A_248 = arith.ori %or3A_247, %ne3A_246 : i1
          %not3A_249 = arith.constant true
          %not3A_250 = arith.xori %eq3A_144, %not3A_249 : i1
          %and3A_251 = arith.andi %or3A_248, %not3A_250 : i1
          %convert_element_type3A_252 = arith.extui %and3A_251 : i1 to i32
          %cond3A_253 = arith.constant 0 : i32
          %cond3A_254 = arith.cmpi ne, %convert_element_type3A_252, %cond3A_253 : i32
          scf.if %cond3A_254 {
          } else {
          }
          %and3A_255 = arith.constant false
          %and3A_256 = arith.andi %and3A_251, %and3A_255 : i1
          %ne3A_257 = arith.cmpi ne, %add3A_148, %add3A_158 : i32
          %or3A_258 = arith.constant false
          %or3A_259 = arith.ori %or3A_258, %ne3A_257 : i1
          %or3A_260 = arith.constant false
          %or3A_261 = arith.ori %or3A_259, %or3A_260 : i1
          %not3A_262 = arith.constant true
          %not3A_263 = arith.xori %eq3A_144, %not3A_262 : i1
          %and3A_264 = arith.andi %or3A_261, %not3A_263 : i1
          %convert_element_type3A_265 = arith.extui %and3A_264 : i1 to i32
          %cond3A_266 = arith.constant 0 : i32
          %cond3A_267 = arith.cmpi ne, %convert_element_type3A_265, %cond3A_266 : i32
          scf.if %cond3A_267 {
            "tpu.trace_start"() <{level = 10 : i32, message = "ep_wait_out"}> : () -> ()
            %rem3A_287 = arith.constant 2 : i32
            %rem3A_288 = arith.remui %while3A_139, %rem3A_287 : i32
            %mul3A_289 = arith.constant 128 : i32
            %mul3A_290 = arith.muli %mul3A_289, %add3A_158 : i32
            %dma_wait3A = arith.constant 0 : i32
            %dma_wait3A_291 = arith.constant 0 : i32
            %dma_wait3A_292 = tpu.memref_slice %run_scoped3A_11[%rem3A_288, %dma_wait3A, %dma_wait3A_291] : memref<2x128x384xf32, #tpu.memory_space<vmem>> -> memref<1x128x384xf32, #tpu.memory_space<vmem>>
            %dma_wait3A_293 = tpu.memref_squeeze %dma_wait3A_292 : memref<1x128x384xf32, #tpu.memory_space<vmem>> -> memref<128x384xf32, #tpu.memory_space<vmem>>
            %dma_wait3A_294 = arith.constant 0 : i32
            %dma_wait3A_295 = tpu.memref_slice %arg4[%mul3A_290, %dma_wait3A_294] : memref<1024x384xf32, #tpu.memory_space<hbm>> -> memref<128x384xf32, #tpu.memory_space<hbm>>
            %dma_wait3A_296 = tpu.memref_slice %run_scoped3A_12[%rem3A_288] : memref<2x!tpu.dma_semaphore, #tpu.memory_space<semaphore_mem>> -> memref<1x!tpu.dma_semaphore, #tpu.memory_space<semaphore_mem>>
            %dma_wait3A_297 = tpu.memref_squeeze %dma_wait3A_296 : memref<1x!tpu.dma_semaphore, #tpu.memory_space<semaphore_mem>> -> memref<!tpu.dma_semaphore, #tpu.memory_space<semaphore_mem>>
            %dma_wait3A_298 = arith.constant 0 : i32
            %dma_wait3A_299 = tpu.memref_slice %arg4[%mul3A_290, %dma_wait3A_298] : memref<1024x384xf32, #tpu.memory_space<hbm>> -> memref<128x384xf32, #tpu.memory_space<hbm>>
            %dma_wait3A_300 = arith.constant 0 : i32
            %dma_wait3A_301 = arith.constant 0 : i32
            %dma_wait3A_302 = tpu.memref_slice %run_scoped3A_11[%rem3A_288, %dma_wait3A_300, %dma_wait3A_301] : memref<2x128x384xf32, #tpu.memory_space<vmem>> -> memref<1x128x384xf32, #tpu.memory_space<vmem>>
            %dma_wait3A_303 = tpu.memref_squeeze %dma_wait3A_302 : memref<1x128x384xf32, #tpu.memory_space<vmem>> -> memref<128x384xf32, #tpu.memory_space<vmem>>
            tpu.wait_dma2 semaphore(%dma_wait3A_297 : memref<!tpu.dma_semaphore, #tpu.memory_space<semaphore_mem>>) src(%dma_wait3A_303 : memref<128x384xf32, #tpu.memory_space<vmem>>) dst(%dma_wait3A_299 : memref<128x384xf32, #tpu.memory_space<hbm>>)
            "tpu.trace_stop"() : () -> ()
          } else {
          }
          %and3A_268 = arith.constant true
          %and3A_269 = arith.andi %and3A_264, %and3A_268 : i1
          %add3A_270 = arith.constant 1 : i32
          %add3A_271 = arith.addi %while3A_139, %add3A_270 : i32
          %select_n3A_272 = arith.select %and3A_269, %add3A_271, %while3A_139 : i32
          %ne3A_273 = arith.cmpi ne, %add3A_148, %add3A_166 : i32
          %or3A_274 = arith.constant false
          %or3A_275 = arith.ori %or3A_274, %ne3A_273 : i1
          %or3A_276 = arith.ori %or3A_275, %eq3A_147 : i1
          %add3A_277 = arith.constant 1 : i32
          %add3A_278 = arith.addi %while3A_137, %add3A_277 : i32
          %select_n3A_279 = arith.select %or3A_276, %add3A_278, %while3A_137 : i32
          %add3A_280 = arith.constant 1 : i32
          %add3A_281 = arith.addi %while3A_140, %add3A_280 : i32
          %select_n3A_282 = arith.constant true
          %select_n3A_283 = arith.select %select_n3A_282, %add3A_281, %while3A_140 : i32
          %eq3A_284 = arith.cmpi eq, %select_n3A_283, %select_n3A : i32
          %select_n3A_285 = arith.constant 0 : i32
          %select_n3A_286 = arith.select %eq3A_284, %select_n3A_285, %select_n3A_283 : i32
          scf.yield %select_n3A_188, %select_n3A_279, %select_n3A_245, %select_n3A_272, %select_n3A_286 : i32, i32, i32, i32, i32
        }
        %sub3A_84 = arith.constant 1 : i32
        %sub3A_85 = arith.subi %while3A_83#4, %sub3A_84 : i32
        %select_n3A_86 = arith.constant true
        %select_n3A_87 = arith.select %select_n3A_86, %sub3A_85, %while3A_83#4 : i32
        %eq3A_88 = arith.constant -1 : i32
        %eq3A_89 = arith.cmpi eq, %select_n3A_87, %eq3A_88 : i32
        %sub3A_90 = arith.constant 1 : i32
        %sub3A_91 = arith.subi %select_n3A, %sub3A_90 : i32
        %select_n3A_92 = arith.select %eq3A_89, %sub3A_91, %select_n3A_87 : i32
        %sub3A_93 = arith.constant 1 : i32
        %sub3A_94 = arith.subi %mul3A_9, %sub3A_93 : i32
        %mul3A_95 = arith.constant 1 : i32
        %mul3A_96 = arith.muli %mul3A_95, %select_n3A : i32
        %eq3A_97 = arith.constant 0 : i32
        %eq3A_98 = arith.cmpi eq, %sub3A_94, %eq3A_97 : i32
        %sub3A_99 = arith.constant 1 : i32
        %sub3A_100 = arith.subi %mul3A_96, %sub3A_99 : i32
        %eq3A_101 = arith.cmpi eq, %sub3A_94, %sub3A_100 : i32
        %add3A_102 = arith.addi %select_n3A_92, %select_n3A_7 : i32
        %sub3A_103 = arith.constant 1 : i32
        %sub3A_104 = arith.subi %select_n3A_92, %sub3A_103 : i32
        %select_n3A_105 = arith.constant true
        %select_n3A_106 = arith.select %select_n3A_105, %sub3A_104, %select_n3A_92 : i32
        %eq3A_107 = arith.constant -1 : i32
        %eq3A_108 = arith.cmpi eq, %select_n3A_106, %eq3A_107 : i32
        %sub3A_109 = arith.constant 1 : i32
        %sub3A_110 = arith.subi %select_n3A, %sub3A_109 : i32
        %select_n3A_111 = arith.select %eq3A_108, %sub3A_110, %select_n3A_106 : i32
        %add3A_112 = arith.addi %select_n3A_111, %select_n3A_7 : i32
        %add3A_113 = arith.constant 1 : i32
        %add3A_114 = arith.addi %select_n3A_92, %add3A_113 : i32
        %select_n3A_115 = arith.constant true
        %select_n3A_116 = arith.select %select_n3A_115, %add3A_114, %select_n3A_92 : i32
        %eq3A_117 = arith.cmpi eq, %select_n3A_116, %select_n3A : i32
        %select_n3A_118 = arith.constant 0 : i32
        %select_n3A_119 = arith.select %eq3A_117, %select_n3A_118, %select_n3A_116 : i32
        %add3A_120 = arith.addi %select_n3A_119, %select_n3A_7 : i32
        %add3A_121 = arith.constant 1 : i32
        %add3A_122 = arith.addi %select_n3A_119, %add3A_121 : i32
        %select_n3A_123 = arith.constant true
        %select_n3A_124 = arith.select %select_n3A_123, %add3A_122, %select_n3A_119 : i32
        %eq3A_125 = arith.cmpi eq, %select_n3A_124, %select_n3A : i32
        %select_n3A_126 = arith.constant 0 : i32
        %select_n3A_127 = arith.select %eq3A_125, %select_n3A_126, %select_n3A_124 : i32
        %add3A_128 = arith.addi %select_n3A_127, %select_n3A_7 : i32
        %convert_element_type3A_129 = arith.extui %eq3A_101 : i1 to i32
        %cond3A_130 = arith.constant 0 : i32
        %cond3A_131 = arith.cmpi ne, %convert_element_type3A_129, %cond3A_130 : i32
        scf.if %cond3A_131 {
        } else {
        }
        %convert_element_type3A_132 = arith.extui %eq3A_101 : i1 to i32
        %cond3A_133 = arith.constant 0 : i32
        %cond3A_134 = arith.cmpi ne, %convert_element_type3A_132, %cond3A_133 : i32
        scf.if %cond3A_134 {
          "tpu.trace_start"() <{level = 10 : i32, message = "ep_finalize"}> : () -> ()
          %rem3A_135 = arith.constant 2 : i32
          %rem3A_136 = arith.remui %while3A_83#3, %rem3A_135 : i32
          %mul3A_137 = arith.constant 128 : i32
          %mul3A_138 = arith.muli %mul3A_137, %add3A_102 : i32
          %dma_wait3A = arith.constant 0 : i32
          %dma_wait3A_139 = arith.constant 0 : i32
          %dma_wait3A_140 = tpu.memref_slice %run_scoped3A_11[%rem3A_136, %dma_wait3A, %dma_wait3A_139] : memref<2x128x384xf32, #tpu.memory_space<vmem>> -> memref<1x128x384xf32, #tpu.memory_space<vmem>>
          %dma_wait3A_141 = tpu.memref_squeeze %dma_wait3A_140 : memref<1x128x384xf32, #tpu.memory_space<vmem>> -> memref<128x384xf32, #tpu.memory_space<vmem>>
          %dma_wait3A_142 = arith.constant 0 : i32
          %dma_wait3A_143 = tpu.memref_slice %arg4[%mul3A_138, %dma_wait3A_142] : memref<1024x384xf32, #tpu.memory_space<hbm>> -> memref<128x384xf32, #tpu.memory_space<hbm>>
          %dma_wait3A_144 = tpu.memref_slice %run_scoped3A_12[%rem3A_136] : memref<2x!tpu.dma_semaphore, #tpu.memory_space<semaphore_mem>> -> memref<1x!tpu.dma_semaphore, #tpu.memory_space<semaphore_mem>>
          %dma_wait3A_145 = tpu.memref_squeeze %dma_wait3A_144 : memref<1x!tpu.dma_semaphore, #tpu.memory_space<semaphore_mem>> -> memref<!tpu.dma_semaphore, #tpu.memory_space<semaphore_mem>>
          %dma_wait3A_146 = arith.constant 0 : i32
          %dma_wait3A_147 = tpu.memref_slice %arg4[%mul3A_138, %dma_wait3A_146] : memref<1024x384xf32, #tpu.memory_space<hbm>> -> memref<128x384xf32, #tpu.memory_space<hbm>>
          %dma_wait3A_148 = arith.constant 0 : i32
          %dma_wait3A_149 = arith.constant 0 : i32
          %dma_wait3A_150 = tpu.memref_slice %run_scoped3A_11[%rem3A_136, %dma_wait3A_148, %dma_wait3A_149] : memref<2x128x384xf32, #tpu.memory_space<vmem>> -> memref<1x128x384xf32, #tpu.memory_space<vmem>>
          %dma_wait3A_151 = tpu.memref_squeeze %dma_wait3A_150 : memref<1x128x384xf32, #tpu.memory_space<vmem>> -> memref<128x384xf32, #tpu.memory_space<vmem>>
          tpu.wait_dma2 semaphore(%dma_wait3A_145 : memref<!tpu.dma_semaphore, #tpu.memory_space<semaphore_mem>>) src(%dma_wait3A_151 : memref<128x384xf32, #tpu.memory_space<vmem>>) dst(%dma_wait3A_147 : memref<128x384xf32, #tpu.memory_space<hbm>>)
          "tpu.trace_stop"() : () -> ()
        } else {
        }
      } else {
      }
      tpu.yield
    }) : () -> ()
    return
  }
}

module attributes {stable_mosaic.version = 14 : i64} {
  func.func @_qkv_kernel(%arg0: i32, %arg1: i32, %arg2: memref<1x512x768xf32, #tpu.memory_space<vmem>>, %arg3: memref<512x768xf32, #tpu.memory_space<vmem>>, %arg4: memref<512x768xf32, #tpu.memory_space<vmem>>, %arg5: memref<512x768xf32, #tpu.memory_space<vmem>>, %arg6: memref<1x768xf32, #tpu.memory_space<vmem>>, %arg7: memref<768x768xbf16, #tpu.memory_space<vmem>>, %arg8: memref<768x768xbf16, #tpu.memory_space<vmem>>, %arg9: memref<768x768xbf16, #tpu.memory_space<vmem>>, %arg10: memref<1x512x768xbf16, #tpu.memory_space<vmem>>, %arg11: memref<1x512x768xbf16, #tpu.memory_space<vmem>>, %arg12: memref<1x512x768xbf16, #tpu.memory_space<vmem>>) attributes {dimension_semantics = [#tpu.dimension_semantics<arbitrary>, #tpu.dimension_semantics<arbitrary>], iteration_bounds = array<i64: 4, 4>, scalar_prefetch = 0 : i64, scratch_operands = 0 : i64, tpu.core_type = #tpu.core_type<tc>, window_params = [{transform_indices = @transform_0, window_bounds = array<i64: 1, 512, 768>}, {transform_indices = @transform_1, window_bounds = array<i64: 512, 768>}, {transform_indices = @transform_2, window_bounds = array<i64: 512, 768>}, {transform_indices = @transform_3, window_bounds = array<i64: 512, 768>}, {pipeline_mode = #tpu.pipeline_mode<synchronous>, transform_indices = @transform_4, window_bounds = array<i64: 1, 768>}, {pipeline_mode = #tpu.pipeline_mode<synchronous>, transform_indices = @transform_5, window_bounds = array<i64: 768, 768>}, {pipeline_mode = #tpu.pipeline_mode<synchronous>, transform_indices = @transform_6, window_bounds = array<i64: 768, 768>}, {pipeline_mode = #tpu.pipeline_mode<synchronous>, transform_indices = @transform_7, window_bounds = array<i64: 768, 768>}, {transform_indices = @transform_8, window_bounds = array<i64: 1, 512, 768>}, {transform_indices = @transform_9, window_bounds = array<i64: 1, 512, 768>}, {transform_indices = @transform_10, window_bounds = array<i64: 1, 512, 768>}]} {
    %get3A = arith.constant 0 : index
    %get3A_0 = arith.constant 0 : index
    %get3A_1 = arith.constant 0 : index
    %get3A_2 = vector.load %arg2[%get3A, %get3A_0, %get3A_1] : memref<1x512x768xf32, #tpu.memory_space<vmem>>, vector<1x512x768xf32>
    %get3A_3 = vector.shape_cast %get3A_2 : vector<1x512x768xf32> to vector<512x768xf32>
    %get3A_4 = arith.constant 0 : index
    %get3A_5 = arith.constant 0 : index
    %get3A_6 = vector.load %arg6[%get3A_4, %get3A_5] : memref<1x768xf32, #tpu.memory_space<vmem>>, vector<1x768xf32>
    %get3A_7 = vector.shape_cast %get3A_6 : vector<1x768xf32> to vector<768xf32>
    %mul3A = arith.mulf %get3A_3, %get3A_3 : vector<512x768xf32>
    %reduce_sum3A = arith.constant dense<0.000000e+00> : vector<512xf32>
    %reduce_sum3A_8 = vector.multi_reduction <add>, %mul3A, %reduce_sum3A [1] : vector<512x768xf32> to vector<512xf32>
    %broadcast_in_dim3A = vector.shape_cast %reduce_sum3A_8 : vector<512xf32> to vector<512x1xf32>
    %div3A = arith.constant 7.680000e+02 : f32
    %div3A_9 = vector.broadcast %div3A : f32 to vector<512x1xf32>
    %div3A_10 = arith.divf %broadcast_in_dim3A, %div3A_9 : vector<512x1xf32>
    %add3A = arith.constant 9.99999974E-6 : f32
    %add3A_11 = vector.broadcast %add3A : f32 to vector<512x1xf32>
    %add3A_12 = arith.addf %div3A_10, %add3A_11 : vector<512x1xf32>
    %rsqrt3A = math.rsqrt %add3A_12 : vector<512x1xf32>
    %mul3A_13 = vector.broadcast %rsqrt3A : vector<512x1xf32> to vector<512x768xf32>
    %mul3A_14 = arith.mulf %get3A_3, %mul3A_13 : vector<512x768xf32>
    %broadcast_in_dim3A_15 = vector.shape_cast %get3A_7 : vector<768xf32> to vector<1x768xf32>
    %mul3A_16 = vector.broadcast %broadcast_in_dim3A_15 : vector<1x768xf32> to vector<512x768xf32>
    %mul3A_17 = arith.mulf %mul3A_14, %mul3A_16 : vector<512x768xf32>
    %convert_element_type3A = arith.truncf %mul3A_17 : vector<512x768xf32> to vector<512x768xbf16>
    %get3A_18 = arith.constant 0 : index
    %get3A_19 = arith.constant 0 : index
    %get3A_20 = vector.load %arg7[%get3A_18, %get3A_19] : memref<768x768xbf16, #tpu.memory_space<vmem>>, vector<768x768xbf16>
    %dot_general3A = arith.constant dense<0.000000e+00> : vector<512x768xf32>
    %dot_general3A_21 = tpu.matmul %convert_element_type3A, %get3A_20, %dot_general3A {dimension_numbers = #tpu.dot_dimension_numbers<[1], [0], [0], [1], [0, 0, 1, 1], [], []>, transpose_lhs_hint = false} : vector<512x768xbf16>, vector<768x768xbf16>, vector<512x768xf32> -> vector<512x768xf32>
    %get3A_22 = arith.constant 0 : index
    %get3A_23 = arith.constant 0 : index
    %get3A_24 = vector.load %arg8[%get3A_22, %get3A_23] : memref<768x768xbf16, #tpu.memory_space<vmem>>, vector<768x768xbf16>
    %dot_general3A_25 = arith.constant dense<0.000000e+00> : vector<512x768xf32>
    %dot_general3A_26 = tpu.matmul %convert_element_type3A, %get3A_24, %dot_general3A_25 {dimension_numbers = #tpu.dot_dimension_numbers<[1], [0], [0], [1], [0, 0, 1, 1], [], []>, transpose_lhs_hint = false} : vector<512x768xbf16>, vector<768x768xbf16>, vector<512x768xf32> -> vector<512x768xf32>
    %get3A_27 = arith.constant 0 : index
    %get3A_28 = arith.constant 0 : index
    %get3A_29 = vector.load %arg9[%get3A_27, %get3A_28] : memref<768x768xbf16, #tpu.memory_space<vmem>>, vector<768x768xbf16>
    %dot_general3A_30 = arith.constant dense<0.000000e+00> : vector<512x768xf32>
    %dot_general3A_31 = tpu.matmul %convert_element_type3A, %get3A_29, %dot_general3A_30 {dimension_numbers = #tpu.dot_dimension_numbers<[1], [0], [0], [1], [0, 0, 1, 1], [], []>, transpose_lhs_hint = false} : vector<512x768xbf16>, vector<768x768xbf16>, vector<512x768xf32> -> vector<512x768xf32>
    %get3A_32 = arith.constant 0 : index
    %get3A_33 = arith.constant 0 : index
    %get3A_34 = vector.load %arg3[%get3A_32, %get3A_33] : memref<512x768xf32, #tpu.memory_space<vmem>>, vector<512x768xf32>
    %get3A_35 = arith.constant 0 : index
    %get3A_36 = arith.constant 0 : index
    %get3A_37 = vector.load %arg4[%get3A_35, %get3A_36] : memref<512x768xf32, #tpu.memory_space<vmem>>, vector<512x768xf32>
    %get3A_38 = arith.constant 0 : index
    %get3A_39 = arith.constant 0 : index
    %get3A_40 = vector.load %arg5[%get3A_38, %get3A_39] : memref<512x768xf32, #tpu.memory_space<vmem>>, vector<512x768xf32>
    %slice3A = vector.extract_strided_slice %dot_general3A_21 {offsets = [0, 32], sizes = [512, 736], strides = [1, 1]} : vector<512x768xf32> to vector<512x736xf32>
    %slice3A_41 = vector.extract_strided_slice %dot_general3A_21 {offsets = [0, 0], sizes = [512, 32], strides = [1, 1]} : vector<512x768xf32> to vector<512x32xf32>
    %concatenate3A = tpu.concatenate %slice3A, %slice3A_41 in 1 : vector<512x736xf32>, vector<512x32xf32> -> vector<512x768xf32>
    %slice3A_42 = vector.extract_strided_slice %dot_general3A_21 {offsets = [0, 736], sizes = [512, 32], strides = [1, 1]} : vector<512x768xf32> to vector<512x32xf32>
    %slice3A_43 = vector.extract_strided_slice %dot_general3A_21 {offsets = [0, 0], sizes = [512, 736], strides = [1, 1]} : vector<512x768xf32> to vector<512x736xf32>
    %concatenate3A_44 = tpu.concatenate %slice3A_42, %slice3A_43 in 1 : vector<512x32xf32>, vector<512x736xf32> -> vector<512x768xf32>
    %mul3A_45 = arith.mulf %dot_general3A_21, %get3A_34 : vector<512x768xf32>
    %mul3A_46 = arith.mulf %concatenate3A, %get3A_37 : vector<512x768xf32>
    %add3A_47 = arith.addf %mul3A_45, %mul3A_46 : vector<512x768xf32>
    %mul3A_48 = arith.mulf %concatenate3A_44, %get3A_40 : vector<512x768xf32>
    %add3A_49 = arith.addf %add3A_47, %mul3A_48 : vector<512x768xf32>
    %mul3A_50 = arith.constant 1.250000e-01 : f32
    %mul3A_51 = vector.broadcast %mul3A_50 : f32 to vector<512x768xf32>
    %mul3A_52 = arith.mulf %add3A_49, %mul3A_51 : vector<512x768xf32>
    %convert_element_type3A_53 = arith.truncf %mul3A_52 : vector<512x768xf32> to vector<512x768xbf16>
    %swap3A = arith.constant 0 : index
    %swap3A_54 = arith.constant 0 : index
    %swap3A_55 = arith.constant 0 : index
    %swap3A_56 = vector.load %arg10[%swap3A, %swap3A_54, %swap3A_55] : memref<1x512x768xbf16, #tpu.memory_space<vmem>>, vector<1x512x768xbf16>
    %swap3A_57 = vector.shape_cast %swap3A_56 : vector<1x512x768xbf16> to vector<512x768xbf16>
    %swap3A_58 = vector.shape_cast %convert_element_type3A_53 : vector<512x768xbf16> to vector<1x512x768xbf16>
    tpu.vector_store %arg10[%swap3A, %swap3A_54, %swap3A_55], %swap3A_58 {strides = array<i32>} : memref<1x512x768xbf16, #tpu.memory_space<vmem>>, vector<1x512x768xbf16>,
    %slice3A_59 = vector.extract_strided_slice %dot_general3A_26 {offsets = [0, 32], sizes = [512, 736], strides = [1, 1]} : vector<512x768xf32> to vector<512x736xf32>
    %slice3A_60 = vector.extract_strided_slice %dot_general3A_26 {offsets = [0, 0], sizes = [512, 32], strides = [1, 1]} : vector<512x768xf32> to vector<512x32xf32>
    %concatenate3A_61 = tpu.concatenate %slice3A_59, %slice3A_60 in 1 : vector<512x736xf32>, vector<512x32xf32> -> vector<512x768xf32>
    %slice3A_62 = vector.extract_strided_slice %dot_general3A_26 {offsets = [0, 736], sizes = [512, 32], strides = [1, 1]} : vector<512x768xf32> to vector<512x32xf32>
    %slice3A_63 = vector.extract_strided_slice %dot_general3A_26 {offsets = [0, 0], sizes = [512, 736], strides = [1, 1]} : vector<512x768xf32> to vector<512x736xf32>
    %concatenate3A_64 = tpu.concatenate %slice3A_62, %slice3A_63 in 1 : vector<512x32xf32>, vector<512x736xf32> -> vector<512x768xf32>
    %mul3A_65 = arith.mulf %dot_general3A_26, %get3A_34 : vector<512x768xf32>
    %mul3A_66 = arith.mulf %concatenate3A_61, %get3A_37 : vector<512x768xf32>
    %add3A_67 = arith.addf %mul3A_65, %mul3A_66 : vector<512x768xf32>
    %mul3A_68 = arith.mulf %concatenate3A_64, %get3A_40 : vector<512x768xf32>
    %add3A_69 = arith.addf %add3A_67, %mul3A_68 : vector<512x768xf32>
    %convert_element_type3A_70 = arith.truncf %add3A_69 : vector<512x768xf32> to vector<512x768xbf16>
    %swap3A_71 = arith.constant 0 : index
    %swap3A_72 = arith.constant 0 : index
    %swap3A_73 = arith.constant 0 : index
    %swap3A_74 = vector.load %arg11[%swap3A_71, %swap3A_72, %swap3A_73] : memref<1x512x768xbf16, #tpu.memory_space<vmem>>, vector<1x512x768xbf16>
    %swap3A_75 = vector.shape_cast %swap3A_74 : vector<1x512x768xbf16> to vector<512x768xbf16>
    %swap3A_76 = vector.shape_cast %convert_element_type3A_70 : vector<512x768xbf16> to vector<1x512x768xbf16>
    tpu.vector_store %arg11[%swap3A_71, %swap3A_72, %swap3A_73], %swap3A_76 {strides = array<i32>} : memref<1x512x768xbf16, #tpu.memory_space<vmem>>, vector<1x512x768xbf16>,
    %convert_element_type3A_77 = arith.truncf %dot_general3A_31 : vector<512x768xf32> to vector<512x768xbf16>
    %swap3A_78 = arith.constant 0 : index
    %swap3A_79 = arith.constant 0 : index
    %swap3A_80 = arith.constant 0 : index
    %swap3A_81 = vector.load %arg12[%swap3A_78, %swap3A_79, %swap3A_80] : memref<1x512x768xbf16, #tpu.memory_space<vmem>>, vector<1x512x768xbf16>
    %swap3A_82 = vector.shape_cast %swap3A_81 : vector<1x512x768xbf16> to vector<512x768xbf16>
    %swap3A_83 = vector.shape_cast %convert_element_type3A_77 : vector<512x768xbf16> to vector<1x512x768xbf16>
    tpu.vector_store %arg12[%swap3A_78, %swap3A_79, %swap3A_80], %swap3A_83 {strides = array<i32>} : memref<1x512x768xbf16, #tpu.memory_space<vmem>>, vector<1x512x768xbf16>,
    return
  }
  func.func @transform_0(%arg0: i32, %arg1: i32) -> (i32, i32, i32) {
    %c0_i32 = arith.constant 0 : i32
    %c0_i32_0 = arith.constant 0 : i32
    return %arg0, %arg1, %c0_i32 : i32, i32, i32
  }
  func.func @transform_1(%arg0: i32, %arg1: i32) -> (i32, i32) {
    %c0_i32 = arith.constant 0 : i32
    %c0_i32_0 = arith.constant 0 : i32
    return %arg1, %c0_i32 : i32, i32
  }
  func.func @transform_2(%arg0: i32, %arg1: i32) -> (i32, i32) {
    %c0_i32 = arith.constant 0 : i32
    %c0_i32_0 = arith.constant 0 : i32
    return %arg1, %c0_i32 : i32, i32
  }
  func.func @transform_3(%arg0: i32, %arg1: i32) -> (i32, i32) {
    %c0_i32 = arith.constant 0 : i32
    %c0_i32_0 = arith.constant 0 : i32
    return %arg1, %c0_i32 : i32, i32
  }
  func.func @transform_4(%arg0: i32, %arg1: i32) -> (i32, i32) {
    %c0_i32 = arith.constant 0 : i32
    %c0_i32_0 = arith.constant 0 : i32
    %c0_i32_1 = arith.constant 0 : i32
    return %c0_i32, %c0_i32_0 : i32, i32
  }
  func.func @transform_5(%arg0: i32, %arg1: i32) -> (i32, i32) {
    %c0_i32 = arith.constant 0 : i32
    %c0_i32_0 = arith.constant 0 : i32
    %c0_i32_1 = arith.constant 0 : i32
    return %c0_i32, %c0_i32_0 : i32, i32
  }
  func.func @transform_6(%arg0: i32, %arg1: i32) -> (i32, i32) {
    %c0_i32 = arith.constant 0 : i32
    %c0_i32_0 = arith.constant 0 : i32
    %c0_i32_1 = arith.constant 0 : i32
    return %c0_i32, %c0_i32_0 : i32, i32
  }
  func.func @transform_7(%arg0: i32, %arg1: i32) -> (i32, i32) {
    %c0_i32 = arith.constant 0 : i32
    %c0_i32_0 = arith.constant 0 : i32
    %c0_i32_1 = arith.constant 0 : i32
    return %c0_i32, %c0_i32_0 : i32, i32
  }
  func.func @transform_8(%arg0: i32, %arg1: i32) -> (i32, i32, i32) {
    %c0_i32 = arith.constant 0 : i32
    %c0_i32_0 = arith.constant 0 : i32
    return %arg0, %arg1, %c0_i32 : i32, i32, i32
  }
  func.func @transform_9(%arg0: i32, %arg1: i32) -> (i32, i32, i32) {
    %c0_i32 = arith.constant 0 : i32
    %c0_i32_0 = arith.constant 0 : i32
    return %arg0, %arg1, %c0_i32 : i32, i32, i32
  }
  func.func @transform_10(%arg0: i32, %arg1: i32) -> (i32, i32, i32) {
    %c0_i32 = arith.constant 0 : i32
    %c0_i32_0 = arith.constant 0 : i32
    return %arg0, %arg1, %c0_i32 : i32, i32, i32
  }
}

module attributes {stable_mosaic.version = 14 : i64} {
  func.func @_attn_kernel(%arg0: i32, %arg1: i32, %arg2: i32, %arg3: memref<1x1x256x64xbf16, #tpu.memory_space<vmem>>, %arg4: memref<1x1x2048x64xbf16, #tpu.memory_space<vmem>>, %arg5: memref<1x1x2048x64xbf16, #tpu.memory_space<vmem>>, %arg6: memref<1x1x256x64xbf16, #tpu.memory_space<vmem>>) attributes {dimension_semantics = [#tpu.dimension_semantics<arbitrary>, #tpu.dimension_semantics<arbitrary>, #tpu.dimension_semantics<arbitrary>], iteration_bounds = array<i64: 4, 12, 8>, scalar_prefetch = 0 : i64, scratch_operands = 0 : i64, tpu.core_type = #tpu.core_type<tc>, window_params = [{transform_indices = @transform_0, window_bounds = array<i64: 1, 1, 256, 64>}, {transform_indices = @transform_1, window_bounds = array<i64: 1, 1, 2048, 64>}, {transform_indices = @transform_2, window_bounds = array<i64: 1, 1, 2048, 64>}, {transform_indices = @transform_3, window_bounds = array<i64: 1, 1, 256, 64>}]} {
    %get3A = arith.constant 0 : index
    %get3A_0 = arith.constant 0 : index
    %get3A_1 = arith.constant 0 : index
    %get3A_2 = arith.constant 0 : index
    %get3A_3 = vector.load %arg3[%get3A, %get3A_0, %get3A_1, %get3A_2] : memref<1x1x256x64xbf16, #tpu.memory_space<vmem>>, vector<1x1x256x64xbf16>
    %get3A_4 = vector.shape_cast %get3A_3 : vector<1x1x256x64xbf16> to vector<256x64xbf16>
    %get3A_5 = arith.constant 0 : index
    %get3A_6 = arith.constant 0 : index
    %get3A_7 = arith.constant 0 : index
    %get3A_8 = arith.constant 0 : index
    %get3A_9 = vector.load %arg4[%get3A_5, %get3A_6, %get3A_7, %get3A_8] : memref<1x1x2048x64xbf16, #tpu.memory_space<vmem>>, vector<1x1x2048x64xbf16>
    %get3A_10 = vector.shape_cast %get3A_9 : vector<1x1x2048x64xbf16> to vector<2048x64xbf16>
    %get3A_11 = arith.constant 0 : index
    %get3A_12 = arith.constant 0 : index
    %get3A_13 = arith.constant 0 : index
    %get3A_14 = arith.constant 0 : index
    %get3A_15 = vector.load %arg5[%get3A_11, %get3A_12, %get3A_13, %get3A_14] : memref<1x1x2048x64xbf16, #tpu.memory_space<vmem>>, vector<1x1x2048x64xbf16>
    %get3A_16 = vector.shape_cast %get3A_15 : vector<1x1x2048x64xbf16> to vector<2048x64xbf16>
    %dot_general3A = arith.constant dense<0.000000e+00> : vector<256x2048xf32>
    %dot_general3A_17 = tpu.matmul %get3A_4, %get3A_10, %dot_general3A {dimension_numbers = #tpu.dot_dimension_numbers<[1], [1], [0], [0], [0, 0, 1, 0], [], []>, transpose_lhs_hint = false} : vector<256x64xbf16>, vector<2048x64xbf16>, vector<256x2048xf32> -> vector<256x2048xf32>
    %mul3A = arith.constant 256 : i32
    %mul3A_18 = arith.muli %arg2, %mul3A : i32
    %iota3A = tpu.iota {dimensions = array<i32: 0>} : vector<256x2048xi32>
    %add3A = vector.broadcast %mul3A_18 : i32 to vector<256x2048xi32>
    %add3A_19 = arith.addi %add3A, %iota3A : vector<256x2048xi32>
    %iota3A_20 = tpu.iota {dimensions = array<i32: 1>} : vector<256x2048xi32>
    %le3A = arith.cmpi sle, %iota3A_20, %add3A_19 : vector<256x2048xi32>
    %jit3A = arith.constant -1.000000e+09 : f32
    %broadcast_in_dim3A = vector.broadcast %jit3A : f32 to vector<256x2048xf32>
    %select_n3A = arith.select %le3A, %dot_general3A_17, %broadcast_in_dim3A : vector<256x2048xi1>, vector<256x2048xf32>
    %reduce_max3A = arith.constant dense<0xFF800000> : vector<256xf32>
    %reduce_max3A_21 = vector.multi_reduction <maximumf>, %select_n3A, %reduce_max3A [1] : vector<256x2048xf32> to vector<256xf32>
    %broadcast_in_dim3A_22 = vector.shape_cast %reduce_max3A_21 : vector<256xf32> to vector<256x1xf32>
    %sub3A = vector.broadcast %broadcast_in_dim3A_22 : vector<256x1xf32> to vector<256x2048xf32>
    %sub3A_23 = arith.subf %select_n3A, %sub3A : vector<256x2048xf32>
    %exp3A = math.exp %sub3A_23 : vector<256x2048xf32>
    %reduce_sum3A = arith.constant dense<0.000000e+00> : vector<256xf32>
    %reduce_sum3A_24 = vector.multi_reduction <add>, %exp3A, %reduce_sum3A [1] : vector<256x2048xf32> to vector<256xf32>
    %broadcast_in_dim3A_25 = vector.shape_cast %reduce_sum3A_24 : vector<256xf32> to vector<256x1xf32>
    %convert_element_type3A = arith.truncf %exp3A : vector<256x2048xf32> to vector<256x2048xbf16>
    %dot_general3A_26 = arith.constant dense<0.000000e+00> : vector<256x64xf32>
    %dot_general3A_27 = tpu.matmul %convert_element_type3A, %get3A_16, %dot_general3A_26 {dimension_numbers = #tpu.dot_dimension_numbers<[1], [0], [0], [1], [0, 0, 1, 1], [], []>, transpose_lhs_hint = false} : vector<256x2048xbf16>, vector<2048x64xbf16>, vector<256x64xf32> -> vector<256x64xf32>
    %div3A = vector.broadcast %broadcast_in_dim3A_25 : vector<256x1xf32> to vector<256x64xf32>
    %div3A_28 = arith.divf %dot_general3A_27, %div3A : vector<256x64xf32>
    %convert_element_type3A_29 = arith.truncf %div3A_28 : vector<256x64xf32> to vector<256x64xbf16>
    %swap3A = arith.constant 0 : index
    %swap3A_30 = arith.constant 0 : index
    %swap3A_31 = arith.constant 0 : index
    %swap3A_32 = arith.constant 0 : index
    %swap3A_33 = vector.load %arg6[%swap3A, %swap3A_30, %swap3A_31, %swap3A_32] : memref<1x1x256x64xbf16, #tpu.memory_space<vmem>>, vector<1x1x256x64xbf16>
    %swap3A_34 = vector.shape_cast %swap3A_33 : vector<1x1x256x64xbf16> to vector<256x64xbf16>
    %swap3A_35 = vector.shape_cast %convert_element_type3A_29 : vector<256x64xbf16> to vector<1x1x256x64xbf16>
    tpu.vector_store %arg6[%swap3A, %swap3A_30, %swap3A_31, %swap3A_32], %swap3A_35 {strides = array<i32>} : memref<1x1x256x64xbf16, #tpu.memory_space<vmem>>, vector<1x1x256x64xbf16>,
    return
  }
  func.func @transform_0(%arg0: i32, %arg1: i32, %arg2: i32) -> (i32, i32, i32, i32) {
    %c0_i32 = arith.constant 0 : i32
    %c0_i32_0 = arith.constant 0 : i32
    return %arg0, %arg1, %arg2, %c0_i32 : i32, i32, i32, i32
  }
  func.func @transform_1(%arg0: i32, %arg1: i32, %arg2: i32) -> (i32, i32, i32, i32) {
    %c0_i32 = arith.constant 0 : i32
    %c0_i32_0 = arith.constant 0 : i32
    %c0_i32_1 = arith.constant 0 : i32
    return %arg0, %arg1, %c0_i32, %c0_i32_0 : i32, i32, i32, i32
  }
  func.func @transform_2(%arg0: i32, %arg1: i32, %arg2: i32) -> (i32, i32, i32, i32) {
    %c0_i32 = arith.constant 0 : i32
    %c0_i32_0 = arith.constant 0 : i32
    %c0_i32_1 = arith.constant 0 : i32
    return %arg0, %arg1, %c0_i32, %c0_i32_0 : i32, i32, i32, i32
  }
  func.func @transform_3(%arg0: i32, %arg1: i32, %arg2: i32) -> (i32, i32, i32, i32) {
    %c0_i32 = arith.constant 0 : i32
    %c0_i32_0 = arith.constant 0 : i32
    return %arg0, %arg1, %arg2, %c0_i32 : i32, i32, i32, i32
  }
}

module attributes {stable_mosaic.version = 14 : i64} {
  func.func @_ffn_kernel(%arg0: i32, %arg1: i32, %arg2: memref<1x512x768xf32, #tpu.memory_space<vmem>>, %arg3: memref<1x512x768xbf16, #tpu.memory_space<vmem>>, %arg4: memref<768x768xbf16, #tpu.memory_space<vmem>>, %arg5: memref<1x768xf32, #tpu.memory_space<vmem>>, %arg6: memref<768x2048xbf16, #tpu.memory_space<vmem>>, %arg7: memref<768x2048xbf16, #tpu.memory_space<vmem>>, %arg8: memref<2048x768xbf16, #tpu.memory_space<vmem>>, %arg9: memref<1x768xf32, #tpu.memory_space<vmem>>, %arg10: memref<1x512x768xf32, #tpu.memory_space<vmem>>) attributes {dimension_semantics = [#tpu.dimension_semantics<arbitrary>, #tpu.dimension_semantics<arbitrary>], iteration_bounds = array<i64: 4, 4>, scalar_prefetch = 0 : i64, scratch_operands = 0 : i64, tpu.core_type = #tpu.core_type<tc>, window_params = [{transform_indices = @transform_0, window_bounds = array<i64: 1, 512, 768>}, {transform_indices = @transform_1, window_bounds = array<i64: 1, 512, 768>}, {pipeline_mode = #tpu.pipeline_mode<synchronous>, transform_indices = @transform_2, window_bounds = array<i64: 768, 768>}, {pipeline_mode = #tpu.pipeline_mode<synchronous>, transform_indices = @transform_3, window_bounds = array<i64: 1, 768>}, {pipeline_mode = #tpu.pipeline_mode<synchronous>, transform_indices = @transform_4, window_bounds = array<i64: 768, 2048>}, {transform_indices = @transform_5, window_bounds = array<i64: 768, 2048>}, {transform_indices = @transform_6, window_bounds = array<i64: 2048, 768>}, {pipeline_mode = #tpu.pipeline_mode<synchronous>, transform_indices = @transform_7, window_bounds = array<i64: 1, 768>}, {transform_indices = @transform_8, window_bounds = array<i64: 1, 512, 768>}]} {
    %get3A = arith.constant 0 : index
    %get3A_0 = arith.constant 0 : index
    %get3A_1 = arith.constant 0 : index
    %get3A_2 = vector.load %arg2[%get3A, %get3A_0, %get3A_1] : memref<1x512x768xf32, #tpu.memory_space<vmem>>, vector<1x512x768xf32>
    %get3A_3 = vector.shape_cast %get3A_2 : vector<1x512x768xf32> to vector<512x768xf32>
    %get3A_4 = arith.constant 0 : index
    %get3A_5 = arith.constant 0 : index
    %get3A_6 = arith.constant 0 : index
    %get3A_7 = vector.load %arg3[%get3A_4, %get3A_5, %get3A_6] : memref<1x512x768xbf16, #tpu.memory_space<vmem>>, vector<1x512x768xbf16>
    %get3A_8 = vector.shape_cast %get3A_7 : vector<1x512x768xbf16> to vector<512x768xbf16>
    %get3A_9 = arith.constant 0 : index
    %get3A_10 = arith.constant 0 : index
    %get3A_11 = vector.load %arg4[%get3A_9, %get3A_10] : memref<768x768xbf16, #tpu.memory_space<vmem>>, vector<768x768xbf16>
    %dot_general3A = arith.constant dense<0.000000e+00> : vector<512x768xf32>
    %dot_general3A_12 = tpu.matmul %get3A_8, %get3A_11, %dot_general3A {dimension_numbers = #tpu.dot_dimension_numbers<[1], [0], [0], [1], [0, 0, 1, 1], [], []>, transpose_lhs_hint = false} : vector<512x768xbf16>, vector<768x768xbf16>, vector<512x768xf32> -> vector<512x768xf32>
    %add3A = arith.addf %get3A_3, %dot_general3A_12 : vector<512x768xf32>
    %get3A_13 = arith.constant 0 : index
    %get3A_14 = arith.constant 0 : index
    %get3A_15 = vector.load %arg5[%get3A_13, %get3A_14] : memref<1x768xf32, #tpu.memory_space<vmem>>, vector<1x768xf32>
    %get3A_16 = vector.shape_cast %get3A_15 : vector<1x768xf32> to vector<768xf32>
    %mul3A = arith.mulf %add3A, %add3A : vector<512x768xf32>
    %reduce_sum3A = arith.constant dense<0.000000e+00> : vector<512xf32>
    %reduce_sum3A_17 = vector.multi_reduction <add>, %mul3A, %reduce_sum3A [1] : vector<512x768xf32> to vector<512xf32>
    %broadcast_in_dim3A = vector.shape_cast %reduce_sum3A_17 : vector<512xf32> to vector<512x1xf32>
    %div3A = arith.constant 7.680000e+02 : f32
    %div3A_18 = vector.broadcast %div3A : f32 to vector<512x1xf32>
    %div3A_19 = arith.divf %broadcast_in_dim3A, %div3A_18 : vector<512x1xf32>
    %add3A_20 = arith.constant 9.99999974E-6 : f32
    %add3A_21 = vector.broadcast %add3A_20 : f32 to vector<512x1xf32>
    %add3A_22 = arith.addf %div3A_19, %add3A_21 : vector<512x1xf32>
    %rsqrt3A = math.rsqrt %add3A_22 : vector<512x1xf32>
    %mul3A_23 = vector.broadcast %rsqrt3A : vector<512x1xf32> to vector<512x768xf32>
    %mul3A_24 = arith.mulf %add3A, %mul3A_23 : vector<512x768xf32>
    %broadcast_in_dim3A_25 = vector.shape_cast %get3A_16 : vector<768xf32> to vector<1x768xf32>
    %mul3A_26 = vector.broadcast %broadcast_in_dim3A_25 : vector<1x768xf32> to vector<512x768xf32>
    %mul3A_27 = arith.mulf %mul3A_24, %mul3A_26 : vector<512x768xf32>
    %convert_element_type3A = arith.truncf %mul3A_27 : vector<512x768xf32> to vector<512x768xbf16>
    %get3A_28 = arith.constant 0 : index
    %get3A_29 = arith.constant 0 : index
    %get3A_30 = vector.load %arg6[%get3A_28, %get3A_29] : memref<768x2048xbf16, #tpu.memory_space<vmem>>, vector<768x2048xbf16>
    %dot_general3A_31 = arith.constant dense<0.000000e+00> : vector<512x2048xf32>
    %dot_general3A_32 = tpu.matmul %convert_element_type3A, %get3A_30, %dot_general3A_31 {dimension_numbers = #tpu.dot_dimension_numbers<[1], [0], [0], [1], [0, 0, 1, 1], [], []>, transpose_lhs_hint = false} : vector<512x768xbf16>, vector<768x2048xbf16>, vector<512x2048xf32> -> vector<512x2048xf32>
    %get3A_33 = arith.constant 0 : index
    %get3A_34 = arith.constant 0 : index
    %get3A_35 = vector.load %arg7[%get3A_33, %get3A_34] : memref<768x2048xbf16, #tpu.memory_space<vmem>>, vector<768x2048xbf16>
    %dot_general3A_36 = arith.constant dense<0.000000e+00> : vector<512x2048xf32>
    %dot_general3A_37 = tpu.matmul %convert_element_type3A, %get3A_35, %dot_general3A_36 {dimension_numbers = #tpu.dot_dimension_numbers<[1], [0], [0], [1], [0, 0, 1, 1], [], []>, transpose_lhs_hint = false} : vector<512x768xbf16>, vector<768x2048xbf16>, vector<512x2048xf32> -> vector<512x2048xf32>
    %logistic3A = arith.negf %dot_general3A_32 : vector<512x2048xf32>
    %logistic3A_38 = math.exp %logistic3A : vector<512x2048xf32>
    %logistic3A_39 = arith.constant 1.000000e+00 : f32
    %logistic3A_40 = vector.broadcast %logistic3A_39 : f32 to vector<512x2048xf32>
    %logistic3A_41 = arith.addf %logistic3A_40, %logistic3A_38 : vector<512x2048xf32>
    %logistic3A_42 = arith.divf %logistic3A_40, %logistic3A_41 : vector<512x2048xf32>
    %mul3A_43 = arith.mulf %dot_general3A_32, %logistic3A_42 : vector<512x2048xf32>
    %mul3A_44 = arith.mulf %mul3A_43, %dot_general3A_37 : vector<512x2048xf32>
    %convert_element_type3A_45 = arith.truncf %mul3A_44 : vector<512x2048xf32> to vector<512x2048xbf16>
    %get3A_46 = arith.constant 0 : index
    %get3A_47 = arith.constant 0 : index
    %get3A_48 = vector.load %arg8[%get3A_46, %get3A_47] : memref<2048x768xbf16, #tpu.memory_space<vmem>>, vector<2048x768xbf16>
    %dot_general3A_49 = arith.constant dense<0.000000e+00> : vector<512x768xf32>
    %dot_general3A_50 = tpu.matmul %convert_element_type3A_45, %get3A_48, %dot_general3A_49 {dimension_numbers = #tpu.dot_dimension_numbers<[1], [0], [0], [1], [0, 0, 1, 1], [], []>, transpose_lhs_hint = false} : vector<512x2048xbf16>, vector<2048x768xbf16>, vector<512x768xf32> -> vector<512x768xf32>
    %add3A_51 = arith.addf %add3A, %dot_general3A_50 : vector<512x768xf32>
    %swap3A = arith.constant 0 : index
    %swap3A_52 = arith.constant 0 : index
    %swap3A_53 = arith.constant 0 : index
    %swap3A_54 = vector.load %arg10[%swap3A, %swap3A_52, %swap3A_53] : memref<1x512x768xf32, #tpu.memory_space<vmem>>, vector<1x512x768xf32>
    %swap3A_55 = vector.shape_cast %swap3A_54 : vector<1x512x768xf32> to vector<512x768xf32>
    %swap3A_56 = vector.shape_cast %add3A_51 : vector<512x768xf32> to vector<1x512x768xf32>
    tpu.vector_store %arg10[%swap3A, %swap3A_52, %swap3A_53], %swap3A_56 {strides = array<i32>} : memref<1x512x768xf32, #tpu.memory_space<vmem>>, vector<1x512x768xf32>,
    return
  }
  func.func @transform_0(%arg0: i32, %arg1: i32) -> (i32, i32, i32) {
    %c0_i32 = arith.constant 0 : i32
    %c0_i32_0 = arith.constant 0 : i32
    return %arg0, %arg1, %c0_i32 : i32, i32, i32
  }
  func.func @transform_1(%arg0: i32, %arg1: i32) -> (i32, i32, i32) {
    %c0_i32 = arith.constant 0 : i32
    %c0_i32_0 = arith.constant 0 : i32
    return %arg0, %arg1, %c0_i32 : i32, i32, i32
  }
  func.func @transform_2(%arg0: i32, %arg1: i32) -> (i32, i32) {
    %c0_i32 = arith.constant 0 : i32
    %c0_i32_0 = arith.constant 0 : i32
    %c0_i32_1 = arith.constant 0 : i32
    return %c0_i32, %c0_i32_0 : i32, i32
  }
  func.func @transform_3(%arg0: i32, %arg1: i32) -> (i32, i32) {
    %c0_i32 = arith.constant 0 : i32
    %c0_i32_0 = arith.constant 0 : i32
    %c0_i32_1 = arith.constant 0 : i32
    return %c0_i32, %c0_i32_0 : i32, i32
  }
  func.func @transform_4(%arg0: i32, %arg1: i32) -> (i32, i32) {
    %c0_i32 = arith.constant 0 : i32
    %c0_i32_0 = arith.constant 0 : i32
    %c0_i32_1 = arith.constant 0 : i32
    return %c0_i32, %c0_i32_0 : i32, i32
  }
  func.func @transform_5(%arg0: i32, %arg1: i32) -> (i32, i32) {
    %c0_i32 = arith.constant 0 : i32
    %c0_i32_0 = arith.constant 0 : i32
    %c0_i32_1 = arith.constant 0 : i32
    return %c0_i32, %c0_i32_0 : i32, i32
  }
  func.func @transform_6(%arg0: i32, %arg1: i32) -> (i32, i32) {
    %c0_i32 = arith.constant 0 : i32
    %c0_i32_0 = arith.constant 0 : i32
    %c0_i32_1 = arith.constant 0 : i32
    return %c0_i32, %c0_i32_0 : i32, i32
  }
  func.func @transform_7(%arg0: i32, %arg1: i32) -> (i32, i32) {
    %c0_i32 = arith.constant 0 : i32
    %c0_i32_0 = arith.constant 0 : i32
    %c0_i32_1 = arith.constant 0 : i32
    return %c0_i32, %c0_i32_0 : i32, i32
  }
  func.func @transform_8(%arg0: i32, %arg1: i32) -> (i32, i32, i32) {
    %c0_i32 = arith.constant 0 : i32
    %c0_i32_0 = arith.constant 0 : i32
    return %arg0, %arg1, %c0_i32 : i32, i32, i32
  }
}

module attributes {stable_mosaic.version = 14 : i64} {
  func.func @_ffn_kernel(%arg0: i32, %arg1: i32, %arg2: memref<1x512x768xf32, #tpu.memory_space<vmem>>, %arg3: memref<1x512x768xbf16, #tpu.memory_space<vmem>>, %arg4: memref<768x768xbf16, #tpu.memory_space<vmem>>, %arg5: memref<1x768xf32, #tpu.memory_space<vmem>>, %arg6: memref<768x2048xbf16, #tpu.memory_space<vmem>>, %arg7: memref<768x2048xbf16, #tpu.memory_space<vmem>>, %arg8: memref<2048x768xbf16, #tpu.memory_space<vmem>>, %arg9: memref<1x768xf32, #tpu.memory_space<vmem>>, %arg10: memref<1x512x768xf32, #tpu.memory_space<vmem>>) attributes {dimension_semantics = [#tpu.dimension_semantics<arbitrary>, #tpu.dimension_semantics<arbitrary>], iteration_bounds = array<i64: 4, 4>, scalar_prefetch = 0 : i64, scratch_operands = 0 : i64, tpu.core_type = #tpu.core_type<tc>, window_params = [{transform_indices = @transform_0, window_bounds = array<i64: 1, 512, 768>}, {transform_indices = @transform_1, window_bounds = array<i64: 1, 512, 768>}, {pipeline_mode = #tpu.pipeline_mode<synchronous>, transform_indices = @transform_2, window_bounds = array<i64: 768, 768>}, {pipeline_mode = #tpu.pipeline_mode<synchronous>, transform_indices = @transform_3, window_bounds = array<i64: 1, 768>}, {pipeline_mode = #tpu.pipeline_mode<synchronous>, transform_indices = @transform_4, window_bounds = array<i64: 768, 2048>}, {transform_indices = @transform_5, window_bounds = array<i64: 768, 2048>}, {transform_indices = @transform_6, window_bounds = array<i64: 2048, 768>}, {pipeline_mode = #tpu.pipeline_mode<synchronous>, transform_indices = @transform_7, window_bounds = array<i64: 1, 768>}, {transform_indices = @transform_8, window_bounds = array<i64: 1, 512, 768>}]} {
    %get3A = arith.constant 0 : index
    %get3A_0 = arith.constant 0 : index
    %get3A_1 = arith.constant 0 : index
    %get3A_2 = vector.load %arg2[%get3A, %get3A_0, %get3A_1] : memref<1x512x768xf32, #tpu.memory_space<vmem>>, vector<1x512x768xf32>
    %get3A_3 = vector.shape_cast %get3A_2 : vector<1x512x768xf32> to vector<512x768xf32>
    %get3A_4 = arith.constant 0 : index
    %get3A_5 = arith.constant 0 : index
    %get3A_6 = arith.constant 0 : index
    %get3A_7 = vector.load %arg3[%get3A_4, %get3A_5, %get3A_6] : memref<1x512x768xbf16, #tpu.memory_space<vmem>>, vector<1x512x768xbf16>
    %get3A_8 = vector.shape_cast %get3A_7 : vector<1x512x768xbf16> to vector<512x768xbf16>
    %get3A_9 = arith.constant 0 : index
    %get3A_10 = arith.constant 0 : index
    %get3A_11 = vector.load %arg4[%get3A_9, %get3A_10] : memref<768x768xbf16, #tpu.memory_space<vmem>>, vector<768x768xbf16>
    %dot_general3A = arith.constant dense<0.000000e+00> : vector<512x768xf32>
    %dot_general3A_12 = tpu.matmul %get3A_8, %get3A_11, %dot_general3A {dimension_numbers = #tpu.dot_dimension_numbers<[1], [0], [0], [1], [0, 0, 1, 1], [], []>, transpose_lhs_hint = false} : vector<512x768xbf16>, vector<768x768xbf16>, vector<512x768xf32> -> vector<512x768xf32>
    %add3A = arith.addf %get3A_3, %dot_general3A_12 : vector<512x768xf32>
    %get3A_13 = arith.constant 0 : index
    %get3A_14 = arith.constant 0 : index
    %get3A_15 = vector.load %arg5[%get3A_13, %get3A_14] : memref<1x768xf32, #tpu.memory_space<vmem>>, vector<1x768xf32>
    %get3A_16 = vector.shape_cast %get3A_15 : vector<1x768xf32> to vector<768xf32>
    %mul3A = arith.mulf %add3A, %add3A : vector<512x768xf32>
    %reduce_sum3A = arith.constant dense<0.000000e+00> : vector<512xf32>
    %reduce_sum3A_17 = vector.multi_reduction <add>, %mul3A, %reduce_sum3A [1] : vector<512x768xf32> to vector<512xf32>
    %broadcast_in_dim3A = vector.shape_cast %reduce_sum3A_17 : vector<512xf32> to vector<512x1xf32>
    %div3A = arith.constant 7.680000e+02 : f32
    %div3A_18 = vector.broadcast %div3A : f32 to vector<512x1xf32>
    %div3A_19 = arith.divf %broadcast_in_dim3A, %div3A_18 : vector<512x1xf32>
    %add3A_20 = arith.constant 9.99999974E-6 : f32
    %add3A_21 = vector.broadcast %add3A_20 : f32 to vector<512x1xf32>
    %add3A_22 = arith.addf %div3A_19, %add3A_21 : vector<512x1xf32>
    %rsqrt3A = math.rsqrt %add3A_22 : vector<512x1xf32>
    %mul3A_23 = vector.broadcast %rsqrt3A : vector<512x1xf32> to vector<512x768xf32>
    %mul3A_24 = arith.mulf %add3A, %mul3A_23 : vector<512x768xf32>
    %broadcast_in_dim3A_25 = vector.shape_cast %get3A_16 : vector<768xf32> to vector<1x768xf32>
    %mul3A_26 = vector.broadcast %broadcast_in_dim3A_25 : vector<1x768xf32> to vector<512x768xf32>
    %mul3A_27 = arith.mulf %mul3A_24, %mul3A_26 : vector<512x768xf32>
    %convert_element_type3A = arith.truncf %mul3A_27 : vector<512x768xf32> to vector<512x768xbf16>
    %get3A_28 = arith.constant 0 : index
    %get3A_29 = arith.constant 0 : index
    %get3A_30 = vector.load %arg6[%get3A_28, %get3A_29] : memref<768x2048xbf16, #tpu.memory_space<vmem>>, vector<768x2048xbf16>
    %dot_general3A_31 = arith.constant dense<0.000000e+00> : vector<512x2048xf32>
    %dot_general3A_32 = tpu.matmul %convert_element_type3A, %get3A_30, %dot_general3A_31 {dimension_numbers = #tpu.dot_dimension_numbers<[1], [0], [0], [1], [0, 0, 1, 1], [], []>, transpose_lhs_hint = false} : vector<512x768xbf16>, vector<768x2048xbf16>, vector<512x2048xf32> -> vector<512x2048xf32>
    %get3A_33 = arith.constant 0 : index
    %get3A_34 = arith.constant 0 : index
    %get3A_35 = vector.load %arg7[%get3A_33, %get3A_34] : memref<768x2048xbf16, #tpu.memory_space<vmem>>, vector<768x2048xbf16>
    %dot_general3A_36 = arith.constant dense<0.000000e+00> : vector<512x2048xf32>
    %dot_general3A_37 = tpu.matmul %convert_element_type3A, %get3A_35, %dot_general3A_36 {dimension_numbers = #tpu.dot_dimension_numbers<[1], [0], [0], [1], [0, 0, 1, 1], [], []>, transpose_lhs_hint = false} : vector<512x768xbf16>, vector<768x2048xbf16>, vector<512x2048xf32> -> vector<512x2048xf32>
    %logistic3A = arith.negf %dot_general3A_32 : vector<512x2048xf32>
    %logistic3A_38 = math.exp %logistic3A : vector<512x2048xf32>
    %logistic3A_39 = arith.constant 1.000000e+00 : f32
    %logistic3A_40 = vector.broadcast %logistic3A_39 : f32 to vector<512x2048xf32>
    %logistic3A_41 = arith.addf %logistic3A_40, %logistic3A_38 : vector<512x2048xf32>
    %logistic3A_42 = arith.divf %logistic3A_40, %logistic3A_41 : vector<512x2048xf32>
    %mul3A_43 = arith.mulf %dot_general3A_32, %logistic3A_42 : vector<512x2048xf32>
    %mul3A_44 = arith.mulf %mul3A_43, %dot_general3A_37 : vector<512x2048xf32>
    %convert_element_type3A_45 = arith.truncf %mul3A_44 : vector<512x2048xf32> to vector<512x2048xbf16>
    %get3A_46 = arith.constant 0 : index
    %get3A_47 = arith.constant 0 : index
    %get3A_48 = vector.load %arg8[%get3A_46, %get3A_47] : memref<2048x768xbf16, #tpu.memory_space<vmem>>, vector<2048x768xbf16>
    %dot_general3A_49 = arith.constant dense<0.000000e+00> : vector<512x768xf32>
    %dot_general3A_50 = tpu.matmul %convert_element_type3A_45, %get3A_48, %dot_general3A_49 {dimension_numbers = #tpu.dot_dimension_numbers<[1], [0], [0], [1], [0, 0, 1, 1], [], []>, transpose_lhs_hint = false} : vector<512x2048xbf16>, vector<2048x768xbf16>, vector<512x768xf32> -> vector<512x768xf32>
    %add3A_51 = arith.addf %add3A, %dot_general3A_50 : vector<512x768xf32>
    %get3A_52 = arith.constant 0 : index
    %get3A_53 = arith.constant 0 : index
    %get3A_54 = vector.load %arg9[%get3A_52, %get3A_53] : memref<1x768xf32, #tpu.memory_space<vmem>>, vector<1x768xf32>
    %get3A_55 = vector.shape_cast %get3A_54 : vector<1x768xf32> to vector<768xf32>
    %mul3A_56 = arith.mulf %add3A_51, %add3A_51 : vector<512x768xf32>
    %reduce_sum3A_57 = arith.constant dense<0.000000e+00> : vector<512xf32>
    %reduce_sum3A_58 = vector.multi_reduction <add>, %mul3A_56, %reduce_sum3A_57 [1] : vector<512x768xf32> to vector<512xf32>
    %broadcast_in_dim3A_59 = vector.shape_cast %reduce_sum3A_58 : vector<512xf32> to vector<512x1xf32>
    %div3A_60 = arith.constant 7.680000e+02 : f32
    %div3A_61 = vector.broadcast %div3A_60 : f32 to vector<512x1xf32>
    %div3A_62 = arith.divf %broadcast_in_dim3A_59, %div3A_61 : vector<512x1xf32>
    %add3A_63 = arith.constant 9.99999974E-6 : f32
    %add3A_64 = vector.broadcast %add3A_63 : f32 to vector<512x1xf32>
    %add3A_65 = arith.addf %div3A_62, %add3A_64 : vector<512x1xf32>
    %rsqrt3A_66 = math.rsqrt %add3A_65 : vector<512x1xf32>
    %mul3A_67 = vector.broadcast %rsqrt3A_66 : vector<512x1xf32> to vector<512x768xf32>
    %mul3A_68 = arith.mulf %add3A_51, %mul3A_67 : vector<512x768xf32>
    %broadcast_in_dim3A_69 = vector.shape_cast %get3A_55 : vector<768xf32> to vector<1x768xf32>
    %mul3A_70 = vector.broadcast %broadcast_in_dim3A_69 : vector<1x768xf32> to vector<512x768xf32>
    %mul3A_71 = arith.mulf %mul3A_68, %mul3A_70 : vector<512x768xf32>
    %swap3A = arith.constant 0 : index
    %swap3A_72 = arith.constant 0 : index
    %swap3A_73 = arith.constant 0 : index
    %swap3A_74 = vector.load %arg10[%swap3A, %swap3A_72, %swap3A_73] : memref<1x512x768xf32, #tpu.memory_space<vmem>>, vector<1x512x768xf32>
    %swap3A_75 = vector.shape_cast %swap3A_74 : vector<1x512x768xf32> to vector<512x768xf32>
    %swap3A_76 = vector.shape_cast %mul3A_71 : vector<512x768xf32> to vector<1x512x768xf32>
    tpu.vector_store %arg10[%swap3A, %swap3A_72, %swap3A_73], %swap3A_76 {strides = array<i32>} : memref<1x512x768xf32, #tpu.memory_space<vmem>>, vector<1x512x768xf32>,
    return
  }
  func.func @transform_0(%arg0: i32, %arg1: i32) -> (i32, i32, i32) {
    %c0_i32 = arith.constant 0 : i32
    %c0_i32_0 = arith.constant 0 : i32
    return %arg0, %arg1, %c0_i32 : i32, i32, i32
  }
  func.func @transform_1(%arg0: i32, %arg1: i32) -> (i32, i32, i32) {
    %c0_i32 = arith.constant 0 : i32
    %c0_i32_0 = arith.constant 0 : i32
    return %arg0, %arg1, %c0_i32 : i32, i32, i32
  }
  func.func @transform_2(%arg0: i32, %arg1: i32) -> (i32, i32) {
    %c0_i32 = arith.constant 0 : i32
    %c0_i32_0 = arith.constant 0 : i32
    %c0_i32_1 = arith.constant 0 : i32
    return %c0_i32, %c0_i32_0 : i32, i32
  }
  func.func @transform_3(%arg0: i32, %arg1: i32) -> (i32, i32) {
    %c0_i32 = arith.constant 0 : i32
    %c0_i32_0 = arith.constant 0 : i32
    %c0_i32_1 = arith.constant 0 : i32
    return %c0_i32, %c0_i32_0 : i32, i32
  }
  func.func @transform_4(%arg0: i32, %arg1: i32) -> (i32, i32) {
    %c0_i32 = arith.constant 0 : i32
    %c0_i32_0 = arith.constant 0 : i32
    %c0_i32_1 = arith.constant 0 : i32
    return %c0_i32, %c0_i32_0 : i32, i32
  }
  func.func @transform_5(%arg0: i32, %arg1: i32) -> (i32, i32) {
    %c0_i32 = arith.constant 0 : i32
    %c0_i32_0 = arith.constant 0 : i32
    %c0_i32_1 = arith.constant 0 : i32
    return %c0_i32, %c0_i32_0 : i32, i32
  }
  func.func @transform_6(%arg0: i32, %arg1: i32) -> (i32, i32) {
    %c0_i32 = arith.constant 0 : i32
    %c0_i32_0 = arith.constant 0 : i32
    %c0_i32_1 = arith.constant 0 : i32
    return %c0_i32, %c0_i32_0 : i32, i32
  }
  func.func @transform_7(%arg0: i32, %arg1: i32) -> (i32, i32) {
    %c0_i32 = arith.constant 0 : i32
    %c0_i32_0 = arith.constant 0 : i32
    %c0_i32_1 = arith.constant 0 : i32
    return %c0_i32, %c0_i32_0 : i32, i32
  }
  func.func @transform_8(%arg0: i32, %arg1: i32) -> (i32, i32, i32) {
    %c0_i32 = arith.constant 0 : i32
    %c0_i32_0 = arith.constant 0 : i32
    return %arg0, %arg1, %c0_i32 : i32, i32, i32
  }
}

</mosaic_0001>

<sc_bundles>
// kernel: kernel.9.cloned.1.call-start
scs
__scs_entry_jumppad:
0x0: {  	(pc) =	sbr.rel $0x88, $3  }
0x1: {  	(tag) =	ssettag $0x0;
	lr =	simm.s32 $0x1  }
0x2: {  	[smem:$0x3F94] =	sst lr;
	_ =	strace $0xD0000000  }
0x3: {  	_ = 	snop  }
0x4: {  	_ = 	snop  }
0x5: {  	_ = 	snop  }
0x6: {  	_ = 	snop  }
0x7: {  	_ = 	snop  }
__scs_overlays_trampoline_lowered:
0x8: {  	[smem:$0x3FA3] =	sst s0  }
0x9: {  	[smem:$0x3FA4] =	sst s1  }
0xa: {  	[smem:$0x3FA5] =	sst s2  }
0xb: {  	[smem:$0x3FA6] =	sst s3  }
0xc: {  	[smem:$0x3FA7] =	sst s4  }
0xd: {  	[smem:$0x3FA8] =	sst s5  }
0xe: {  	[smem:$0x3FA9] =	sst s6  }
0xf: {  	[smem:$0x3FAA] =	sst s7  }
0x10: {  	[smem:$0x3FAB] =	sst s8  }
0x11: {  	[smem:$0x3FAC] =	sst s9;
	s0 =	simm.s32 @!p0 $0x0  }
0x12: {  	s1 =	sld [smem:$0x3F92];
	s0 =	simm.s32 @p0 $0x1  }
0x13: {  	[smem:$0x3FAD] =	sst s0;
	s0 =	simm.s32 @!p1 $0x0  }
0x14: {  	s2 =	sld [smem:$0x3F91];
	s0 =	simm.s32 @p1 $0x1  }
0x15: {  	[smem:$0x3FAE] =	sst s0;
	s0 =	simm.s32 @!p2 $0x0  }
0x16: {  	s3 =	sld [smem:$0x3FDB];
	s0 =	simm.s32 @p2 $0x1  }
0x17: {  	s4 =	simm.s32 $0x1BF5;
	[smem:$0x3FB0] =	sst s0  }
0x18: {  	s0 =	sld [smem:$0x3F93];
	_ =	swait.ge [sflag:s4], $0x0  }
0x19: {  	s7 =	sld [smem:$0x3F94]  }
0x1a: {  	s8 =	sadd.s32 $0xFFFFE003, lr  }
0x1b: {  	s9 =	sadd.s32 $0xFFFFFEF7, lr;
	s5 =	simm.s32 $0xFFFFFFFF;
	p2 =	slt.u32 s8, $0xFFFFF086  }
0x1c: {  	p1 =	slt.u32 s9, $0xF7A;
	s5 =	simm.s32 @!p2 $0x0  }
0x1d: {  	s5 =	simm.s32 @p1 $0x1;
	p0 =	seq.s32 s7, s2  }
0x1e: {  	s7 =	smul.u32 @!p0 $0xF7A, s2;
	p2 =	seq.s32 @!p0 s5, $0x0  }
0x1f: {  	s9 =	smul.u32 $0xF7A, s1;
	s8 =	simm.s32 @!p0 $0x1BF5;
	p2 =	por !p2, p0  }
0x20: {  	[sflag:s8] =	ssyncset.s32 @!p0 $0xFFFFF086;
	s6 =	sadd.s32 @!p0 s3, s7;
	s7 =	simm.s32 @!p0 $0x108  }
0x21: {  	s3 =	sadd.s32 s3, s9;
	s6 =	sadd.s32 @!p0 $0x88, s6;
	s7 =	simm.s32 @p2 $0x1082  }
0x22: {  	[simem:s7], [sflag:s8] =	dma.local @!p0 [hbm:s6], $0xF7A  }
0x23: {  	s9 =	sor.u32 $0xD0000000, s2;
	s6 =	simm.s32 $0x108;
	_ =	swait.ge @!p0 [sflag:s8], $0x0  }
0x24: {  	s3 =	sadd.s32 $0x88, s3;
	s6 =	simm.s32 @!p1 $0x1082;
	[sflag:s4] =	ssyncset.s32 $0xFFFFF086  }
0x25: {  	[simem:s6], [sflag:s4] =	dma.local [hbm:s3], $0xF7A  }
0x26: {  	[smem:$0x3F94] =	sst s1;
	(tag) =	ssettag s2;
	_ =	strace s9  }
0x27: {  	s1 =	sld [smem:$0x3FA4]  }
0x28: {  	s2 =	sld [smem:$0x3FA5]  }
0x29: {  	s4 =	sld [smem:$0x3FA7]  }
0x2a: {  	p0 =	seq.s32 s5, $0x0;
	s5 =	sld [smem:$0x3FA8]  }
0x2b: {  	s6 =	sld [smem:$0x3FA9]  }
0x2c: {  	s7 =	sld [smem:$0x3FAA]  }
0x2d: {  	s3 =	simm.s32 $0x108;
	s8 =	sld [smem:$0x3FAB]  }
0x2e: {  	s3 =	simm.s32 @!p0 $0x1082;
	s9 =	sld [smem:$0x3FAC]  }
0x2f: {  	lr =	sadd.s32 s0, s3;
	s0 =	sld [smem:$0x3FA3]  }
0x30: {  	s3 =	sld [smem:$0x3FA6]  }
0x31: {  	[smem:$0x3FAF] =	sst s10  }
0x32: {  	s10 =	sld [smem:$0x3FAD];
	_ =	sdelay $0x3  }
0x33: {  	p0 =	seq.s32 s10, $0x1;
	s10 =	sld [smem:$0x3FAF];
	_ =	sdelay $0x3  }
0x34: {  	[smem:$0x3FAF] =	sst s10  }
0x35: {  	s10 =	sld [smem:$0x3FAE];
	_ =	sdelay $0x3  }
0x36: {  	p1 =	seq.s32 s10, $0x1;
	s10 =	sld [smem:$0x3FAF];
	_ =	sdelay $0x3  }
0x37: {  	[smem:$0x3FAF] =	sst s10  }
0x38: {  	s10 =	sld [smem:$0x3FB0]  }
0x39: {  	_ = 	snop;
	(pc) =	sbr.ind lr, $3  }
0x3a: {  	_ = 	snop  }
0x3b: {  	_ = 	snop  }
0x3c: {  	p2 =	seq.s32 s10, $0x1;
	s10 =	sld [smem:$0x3FAF]  }
0x3d: {  	_ =	shalt  }
0x3e: {  	_ =	shalt  }
0x3f: {  	_ =	shalt  }
0x40: {  	_ =	shalt  }
0x41: {  	_ =	shalt  }
0x42: {  	_ =	shalt  }
0x43: {  	_ =	shalt  }
0x44: {  	_ =	shalt  }
0x45: {  	_ =	shalt  }
0x46: {  	_ =	shalt  }
0x47: {  	_ =	shalt  }
0x48: {  	_ =	shalt  }
0x49: {  	_ =	shalt  }
0x4a: {  	_ =	shalt  }
0x4b: {  	_ =	shalt  }
0x4c: {  	_ =	shalt  }
0x4d: {  	_ =	shalt  }
0x4e: {  	_ =	shalt  }
0x4f: {  	_ =	shalt  }
0x50: {  	_ =	shalt  }
0x51: {  	_ =	shalt  }
0x52: {  	_ =	shalt  }
0x53: {  	_ =	shalt  }
0x54: {  	_ =	shalt  }
0x55: {  	_ =	shalt  }
0x56: {  	_ =	shalt  }
0x57: {  	_ =	shalt  }
0x58: {  	_ =	shalt  }
0x59: {  	_ =	shalt  }
0x5a: {  	_ =	shalt  }
0x5b: {  	_ =	shalt  }
0x5c: {  	_ =	shalt  }
0x5d: {  	_ =	shalt  }
0x5e: {  	_ =	shalt  }
0x5f: {  	_ =	shalt  }
0x60: {  	_ =	shalt  }
0x61: {  	_ =	shalt  }
0x62: {  	_ =	shalt  }
0x63: {  	_ =	shalt  }
0x64: {  	_ =	shalt  }
0x65: {  	_ =	shalt  }
0x66: {  	_ =	shalt  }
0x67: {  	_ =	shalt  }
0x68: {  	_ =	shalt  }
0x69: {  	_ =	shalt  }
0x6a: {  	_ =	shalt  }
0x6b: {  	_ =	shalt  }
0x6c: {  	_ =	shalt  }
0x6d: {  	_ =	shalt  }
0x6e: {  	_ =	shalt  }
0x6f: {  	_ =	shalt  }
0x70: {  	_ =	shalt  }
0x71: {  	_ =	shalt  }
0x72: {  	_ =	shalt  }
0x73: {  	_ =	shalt  }
0x74: {  	_ =	shalt  }
0x75: {  	_ =	shalt  }
0x76: {  	_ =	shalt  }
0x77: {  	_ =	shalt  }
0x78: {  	_ =	shalt  }
0x79: {  	_ =	shalt  }
0x7a: {  	_ =	shalt  }
0x7b: {  	_ =	shalt  }
0x7c: {  	_ =	shalt  }
0x7d: {  	_ =	shalt  }
0x7e: {  	_ =	shalt  }
0x7f: {  	_ =	shalt  }
0x80: {  	_ =	shalt  }
0x81: {  	_ =	shalt  }
0x82: {  	_ =	shalt  }
0x83: {  	_ =	shalt  }
0x84: {  	_ =	shalt  }
0x85: {  	_ =	shalt  }
0x86: {  	_ =	shalt  }
0x87: {  	_ =	shalt  }
.Lfunc_end0:
.L_simem_size_0:
called_computation_lowered:
.L_overlay_start_0:
0x88: {  	s2 =	sld [smem:$0x3FD9]  }
0x89: {  	s3 =	sld [smem:$0x3FFE];
	_ =	sdelay $0x1  }
0x8a: {  	s1 =	srdreg.scid  }
0x8b: {  	s0 =	sand.u32 $0x1, s1  }
0x8c: {  	s14 =	sshll.u32 s0, $0xA;
	s2 =	sadd.s32 s3, s2  }
0x8d: {  	s2 =	sadd.s32 s2, s14  }
0x8e: {  	[smem:$0x3FBB] =	sst s2  }
0x8f: {  	_ = 	snop  }
0x90: {  	s2 =	sld [smem:$0x3FD0];
	_ =	sdelay $0x2  }
0x91: {  	s15 =	simm.s32 $0xA;
	s4 =	simm.s32 $0x10  }
0x92: {  	[smem:s4], [sflag:s15] =	dma.local [hbm:s2], $0x1  }
0x93: {  	_ =	swait.eq [sflag:s15], $0x1  }
0x94: {  	[sflag:s15] =	ssyncset.done $0x0  }
0x95: {  	[sflag:s15] =	ssyncadd.s32 $0xFFFFFFFF  }
0x96: {  	s16 =	sld [smem:$0x11];
	(tm) =	ssettm $0x1  }
0x97: {  	s17 =	sld [smem:$0x3FFB];
	_ =	sdelay $0x3  }
0x98: {  	_ =	strace s17  }
0x99: {  	s3 =	sld [smem:$0x3FFC];
	_ =	sdelay $0x3  }
0x9a: {  	_ =	strace s3  }
0x9b: {  	s3 =	sld [smem:$0x3FFD];
	_ =	sdelay $0x3  }
0x9c: {  	_ =	strace s3  }
0x9d: {  	_ =	strace $0x8FFFFFFF  }
0x9e: {  	s18 =	sld [smem:$0x3FDB];
	_ =	sdelay $0x1  }
0x9f: {  	s19 =	simm.s32 $_scs_section_size  }
0xa0: {  	s5 =	simm.s32 $_size__tile_overlayer_lowered;
	s6 =	simm.s32 $_tile_overlayer_lowered  }
0xa1: {  	s22 =	simm.s32 $0x1BFF;
	s21 =	sshll.u32 s6, $0x1;
	s3 =	sadd.s32 s19, s18  }
0xa2: {  	s7 =	simm.s32 $0x0;
	s20 =	sshll.u32 s5, $0x1;
	s5 =	sadd.s32 s21, s3  }
0xa3: {  	[timem:s7], [sflag:s22] =	dma.local [hbm:s5], s20  }
0xa4: {  	_ =	swait.ge [sflag:s22], s20  }
0xa5: {  	s4 =	ssub.s32 $0x0, s20;
	[sflag:s22] =	ssyncset.done $0x0  }
0xa6: {  	[sflag:s22] =	ssyncadd.s32 s4;
	_ =	sdelay $0x1  }
0xa7: {  	s23 =	simm.s32 $0x1B8B  }
0xa8: {  	_ =	swait.ge [sflag:s23], $0x1  }
0xa9: {  	[sflag:s23] =	ssyncset.done $0x0  }
0xaa: {  	s25 =	simm.s32 $0x1B8E;
	s24 =	sld [smem:$0x3FFE];
	[sflag:s23] =	ssyncadd.s32 $0xFFFFFFFF  }
0xab: {  	s26 =	simm.s32 $execute0_lowered;
	[smem:$0x3FD2] =	sst s25  }
0xac: {  	s5 =	sshll.u32 s26, $0x1;
	_ =	strace $0x80000046;
	[dreg:$0x1] =	wrdreg $0xFFFFFFFF  }
0xad: {  	s28 =	simm.s32 $_size_execute0_lowered;
	s3 =	sadd.s32 s3, s5;
	[dreg:$0x0] =	wrdreg $0x0  }
0xae: {  	s5 =	sshll.u32 s28, $0x1;
	[dreg:$0x2] =	wrdreg s3  }
0xaf: {  	[dreg:$0x3] =	wrdreg s5  }
0xb0: {  	[dreg:$0x4] =	wrdreg $0xC0  }
0xb1: {  	_ =	task [dreg:s7], $0x5FFFF  }
0xb2: {  	[dreg:$0x1] =	wrdreg $0xFFFFFFFF  }
0xb3: {  	[dreg:$0x0] =	wrdreg $0x60  }
0xb4: {  	[dreg:$0x2] =	wrdreg s24  }
0xb5: {  	[dreg:$0x3] =	wrdreg s16  }
0xb6: {  	[dreg:$0x4] =	wrdreg $0x9  }
0xb7: {  	_ =	task.clear_ibuf [dreg:s7], $0x5FFFF;
	_ =	strace $0x90000046  }
0xb8: {  	s29 =	simm.s32 $0x9;
	_ =	strace $0x8000004F  }
0xb9: {  	_ =	swait.ge [sflag:s29], $0x1  }
0xba: {  	[sflag:s29] =	ssyncadd.s32 $0xFFFFFFFF  }
0xbb: {  	_ =	strace $0x9000004F  }
0xbc: {  	_ =	sfence  }
0xbd: {  	s30 =	sld [smem:$0x0];
	_ =	sdelay $0x2  }
0xbe: {  	s31 =	sshll.u32 s1, $0xD;
	s1 =	sshrl.u32 s1, $0x2  }
0xbf: {  	s3 =	sand.u32 $0x4000, s31;
	s1 =	sadd.s32 s1, s30  }
0xc0: {  	s0 =	sor.u32 s3, s0;
	s1 =	sshll.u32 s1, $0x11  }
0xc1: {  	s0 =	sor.u32 s1, s0  }
0xc2: {  	s0 =	sadd.s32 $0x8F2B, s0  }
0xc3: {  	[sflag:s0] =	ssyncadd.remote.s32 $0x1  }
0xc4: {  	_ =	sfence.sel $0xFFFF  }
0xc5: {  	[dreg:$0x0] =	wrdreg $0xFFFFFFFF;
	(pc) =	sbr.abs _section_cstart, $3  }
0xc6: {  	[dreg:$0x1] =	wrdreg $0xFFFFFFFF  }
0xc7: {  	_ =	task.clear_ibuf [dreg:s7], $0x2FFFF;
	_ =	strace $0x9FFFFFFF  }
0xc8: {  	(tm) =	ssettm $0x7FFFFFFF  }
0xc9: {  	_ =	shalt  }
tec
execute0_lowered:
.L_overlay_start_1:
0x0: {  	(tag) =	ssettag $0x1  }
0x1: {  	s1 =	stileid.u32  }
0x2: {  	p0 =	sgt.u32 s1, $0x7  }
.Ltmp0:
0x3: {  	_ = 	snop;
	(pc) =	sbr.rel @p0 .LBB2_3-.Ltmp0, $4  }
0x4: {  	_ = 	snop  }
0x5: {  	s0 =	rddreg [dreg:$0x0];
	s2 =	simm.s32 $0x0  }
0x6: {  	[smem:$0x7FF] =	sst s2  }
0x7: {  	s3 =	rddreg [dreg:$0x1];
	_ =	strace $0x80000047  }
0x8: {  	s1 =	stileid.u32;
	s17 =	simm.s32 $0x900;
	s18 =	simm.s32 $0xD00  }
0x9: {  	s19 =	srdreg.scid;
	s6 =	simm.s32 $0x1500;
	s20 =	simm.s32 $0x1900  }
0xa: {  	s21 =	simm.s32 $0x2100;
	s22 =	simm.s32 $0x2500;
	s24 =	simm.s32 $0x2D00  }
0xb: {  	s25 =	simm.s32 $0x3100;
	s26 =	simm.s32 $0x3900;
	[dreg:$0x5] =	wrdreg s17  }
0xc: {  	s7 =	simm.s32 $0x100;
	s9 =	simm.s32 $0x4500;
	[dreg:$0x6] =	wrdreg s18  }
0xd: {  	s10 =	simm.s32 $0x4900;
	s11 =	simm.s32 $0x5100;
	[dreg:$0x7] =	wrdreg s6  }
0xe: {  	s12 =	simm.s32 $0x5500;
	s13 =	simm.s32 $0x5D00;
	[dreg:$0x8] =	wrdreg s20  }
0xf: {  	s14 =	simm.s32 $0x6100;
	s15 =	simm.s32 $0x6900;
	[dreg:$0x9] =	wrdreg s21  }
0x10: {  	s28 =	simm.s32 $0xB100;
	s29 =	simm.s32 $0xB500;
	[dreg:$0xa] =	wrdreg s22  }
0x11: {  	s30 =	simm.s32 $0xBD00;
	s31 =	simm.s32 $0x5;
	[dreg:$0xb] =	wrdreg s24  }
0x12: {  	s4 =	smin.u32 s1, $0x8;
	[dreg:$0xc] =	wrdreg s25;
	s6 =	simm.s32 $0x1  }
0x13: {  	[dreg:$0xd] =	wrdreg s26;
	s17 =	simm.s32 $0x7500;
	s18 =	simm.s32 $0x7900  }
0x14: {  	s20 =	simm.s32 $0x8500;
	s21 =	simm.s32 $0x8D00;
	s5 =	smul.u32 $0x1800, s4  }
0x15: {  	s22 =	simm.s32 $0x9100;
	s24 =	simm.s32 $0x9D00;
	s25 =	simm.s32 $0xA500  }
0x16: {  	s26 =	simm.s32 $0xA900;
	s4 =	sshll.u32 s4, $0x4;
	s5 =	sadd.s32 s5, s0  }
0x17: {  	s3 =	sadd.s32 s3, s4;
	s16 =	sadd.s32 $0xC5400, s5;
	s5 =	sand.u32 $0x1, s19  }
0x18: {  	s4 =	sadd.s32 $0x5500, s0;
	[dreg:$0x3] =	wrdreg s3;
	s5 =	ssub.s32 $0x2, s5  }
0x19: {  	v2 =	vlaneseq.u32;
	s3 =	sadd.s32 $0x5400, s0;
	s0 =	simm.s32 $0x3;
	s23 =	sshrl.u32 s5, $0x1  }
0x1a: {  	vm0 =	vmmov $0xffff;
	vm1 =	vmmov $0xff;
	v1 =	vshrl.u32 v2, $0x3;
	s19 =	simm.s32 $0x8100;
	[dreg:$0x4] =	wrdreg s16;
	s5 =	ssub.s32 s5, s23  }
0x1b: {  	v0 =	vand.u32 $0x7, v2;
	v2 =	vor.u32 $0x8, v2;
	v1 =	vmul.u32 $0x8, v1;
	s16 =	simm.s32 $0x6D00;
	s23 =	simm.s32 $0x9900;
	s5 =	smax.u32 s5, $0x1  }
.LBB2_2:
0x1c: {  	_ =	strace $0x80000048  }
0x1d: {  	s1 =	rddreg [dreg:$0x3]  }
0x1e: {  	[tilespmem:s2], [sflag:$0x1] =	stream.linear.gather [hbm4b:s1+s2], $0x80, $0x200038;
	[tilespmem:$0x18100] =	vst v63  }
0x1f: {  	_ =	strace $0x90000048  }
0x20: {  	_ =	strace $0x8000004A  }
0x21: {  	_ =	swait.ge [sflag:s6], $0x80  }
0x22: {  	[sflag:s6] =	ssyncset.done $0x0  }
0x23: {  	[sflag:s6] =	ssyncadd.s32 $0xFFFFFF80  }
0x24: {  	_ =	strace $0x9000004A  }
0x25: {  	_ =	strace $0x8000004B  }
0x26: {  	v3 =	vld [tilespmem:$0x0];
	_ =	sdelay $0x4  }
0x27: {  	v4 =	vshrl.u32 v3, $0x3  }
0x28: {  	v4 =	vmul.u32 $0x18, v4  }
0x29: {  	v3 =	vand.u32 $0x7, v3  }
0x2a: {  	v3 =	vor.u32 v3, v4  }
0x2b: {  	v4 =	vperm.xlane v3, v0;
	_ =	sdelay $0x1  }
0x2c: {  	v4 =	vadd.s32 v1, v4;
	_ =	sdelay $0x1  }
0x2d: {  	v3 =	vperm.xlane v3, v2;
	_ =	sdelay $0x1  }
0x2e: {  	v3 =	vadd.s32 v1, v3  }
0x2f: {  	[tilespmem:s7], [sflag:$0x5] =	stream.indirect_vreg.gather [hbm4b:s3+s2], $0x80, v4, vm0, $0x2000b8;
	[tilespmem:$0x18100] =	vst v63  }
0x30: {  	s1 =	rddreg [dreg:$0x5]  }
0x31: {  	[tilespmem:s1], [sflag:$0x5] =	stream.indirect_vreg.gather [hbm4b:s4+s2], $0x80, v4, vm1, $0x2000b8;
	[tilespmem:$0x18100] =	vst v63  }
0x32: {  	s8 =	rddreg [dreg:$0x6]  }
0x33: {  	[tilespmem:s8], [sflag:$0x5] =	stream.indirect_vreg.gather [hbm4b:s3+s2], $0x80, v3, vm0, $0x2000b8;
	[tilespmem:$0x18100] =	vst v63  }
0x34: {  	s1 =	rddreg [dreg:$0x7]  }
0x35: {  	[tilespmem:s1], [sflag:$0x5] =	stream.indirect_vreg.gather [hbm4b:s4+s2], $0x80, v3, vm1, $0x2000b8;
	[tilespmem:$0x18100] =	vst v63  }
0x36: {  	v3 =	vld [tilespmem:$0x10];
	_ =	sdelay $0x4  }
0x37: {  	v57 =	vshrl.u32 v3, $0x3  }
0x38: {  	v4 =	vmul.u32 $0x18, v57  }
0x39: {  	v3 =	vand.u32 $0x7, v3  }
0x3a: {  	v3 =	vor.u32 v3, v4  }
0x3b: {  	v4 =	vperm.xlane v3, v0;
	_ =	sdelay $0x1  }
0x3c: {  	v4 =	vadd.s32 v1, v4;
	_ =	sdelay $0x1  }
0x3d: {  	v3 =	vperm.xlane v3, v2;
	_ =	sdelay $0x1  }
0x3e: {  	s1 =	rddreg [dreg:$0x8];
	v3 =	vadd.s32 v1, v3  }
0x3f: {  	[tilespmem:s1], [sflag:$0x5] =	stream.indirect_vreg.gather [hbm4b:s3+s2], $0x80, v4, vm0, $0x2000b8;
	[tilespmem:$0x18100] =	vst v63  }
0x40: {  	s8 =	rddreg [dreg:$0x9]  }
0x41: {  	[tilespmem:s8], [sflag:$0x5] =	stream.indirect_vreg.gather [hbm4b:s4+s2], $0x80, v4, vm1, $0x2000b8;
	[tilespmem:$0x18100] =	vst v63  }
0x42: {  	s1 =	rddreg [dreg:$0xa]  }
0x43: {  	[tilespmem:s1], [sflag:$0x5] =	stream.indirect_vreg.gather [hbm4b:s3+s2], $0x80, v3, vm0, $0x2000b8;
	[tilespmem:$0x18100] =	vst v63  }
0x44: {  	s8 =	rddreg [dreg:$0xb]  }
0x45: {  	[tilespmem:s8], [sflag:$0x5] =	stream.indirect_vreg.gather [hbm4b:s4+s2], $0x80, v3, vm1, $0x2000b8;
	[tilespmem:$0x18100] =	vst v63  }
0x46: {  	v3 =	vld [tilespmem:$0x20];
	_ =	sdelay $0x4  }
0x47: {  	v58 =	vshrl.u32 v3, $0x3  }
0x48: {  	v4 =	vmul.u32 $0x18, v58  }
0x49: {  	v3 =	vand.u32 $0x7, v3  }
0x4a: {  	v3 =	vor.u32 v3, v4  }
0x4b: {  	v4 =	vperm.xlane v3, v0;
	_ =	sdelay $0x1  }
0x4c: {  	v4 =	vadd.s32 v1, v4;
	_ =	sdelay $0x1  }
0x4d: {  	v3 =	vperm.xlane v3, v2;
	_ =	sdelay $0x1  }
0x4e: {  	s1 =	rddreg [dreg:$0xc];
	v3 =	vadd.s32 v1, v3  }
0x4f: {  	[tilespmem:s1], [sflag:$0x5] =	stream.indirect_vreg.gather [hbm4b:s3+s2], $0x80, v4, vm0, $0x2000b8;
	[tilespmem:$0x18100] =	vst v63  }
0x50: {  	s8 =	rddreg [dreg:$0xd]  }
0x51: {  	[tilespmem:s8], [sflag:$0x5] =	stream.indirect_vreg.gather [hbm4b:s4+s2], $0x80, v4, vm1, $0x2000b8;
	[tilespmem:$0x18100] =	vst v63  }
0x52: {  	s8 =	simm.s32 $0x3D00  }
0x53: {  	[tilespmem:s8], [sflag:$0x5] =	stream.indirect_vreg.gather [hbm4b:s3+s2], $0x80, v3, vm0, $0x2000b8;
	[tilespmem:$0x18100] =	vst v63  }
0x54: {  	_ = 	snop  }
0x55: {  	[tilespmem:s9], [sflag:$0x5] =	stream.indirect_vreg.gather [hbm4b:s4+s2], $0x80, v3, vm1, $0x2000b8;
	[tilespmem:$0x18100] =	vst v63  }
0x56: {  	v3 =	vld [tilespmem:$0x30];
	_ =	sdelay $0x4  }
0x57: {  	v59 =	vshrl.u32 v3, $0x3  }
0x58: {  	v4 =	vmul.u32 $0x18, v59  }
0x59: {  	v3 =	vand.u32 $0x7, v3  }
0x5a: {  	v3 =	vor.u32 v3, v4  }
0x5b: {  	v4 =	vperm.xlane v3, v0;
	_ =	sdelay $0x1  }
0x5c: {  	v4 =	vadd.s32 v1, v4;
	_ =	sdelay $0x1  }
0x5d: {  	v3 =	vperm.xlane v3, v2;
	_ =	sdelay $0x1  }
0x5e: {  	v3 =	vadd.s32 v1, v3  }
0x5f: {  	[tilespmem:s10], [sflag:$0x5] =	stream.indirect_vreg.gather [hbm4b:s3+s2], $0x80, v4, vm0, $0x2000b8;
	[tilespmem:$0x18100] =	vst v63  }
0x60: {  	_ = 	snop  }
0x61: {  	[tilespmem:s11], [sflag:$0x5] =	stream.indirect_vreg.gather [hbm4b:s4+s2], $0x80, v4, vm1, $0x2000b8;
	[tilespmem:$0x18100] =	vst v63  }
0x62: {  	_ = 	snop  }
0x63: {  	[tilespmem:s12], [sflag:$0x5] =	stream.indirect_vreg.gather [hbm4b:s3+s2], $0x80, v3, vm0, $0x2000b8;
	[tilespmem:$0x18100] =	vst v63  }
0x64: {  	_ = 	snop  }
0x65: {  	[tilespmem:s13], [sflag:$0x5] =	stream.indirect_vreg.gather [hbm4b:s4+s2], $0x80, v3, vm1, $0x2000b8;
	[tilespmem:$0x18100] =	vst v63  }
0x66: {  	v3 =	vld [tilespmem:$0x40];
	_ =	sdelay $0x4  }
0x67: {  	v60 =	vshrl.u32 v3, $0x3  }
0x68: {  	v4 =	vmul.u32 $0x18, v60  }
0x69: {  	v3 =	vand.u32 $0x7, v3  }
0x6a: {  	v3 =	vor.u32 v3, v4  }
0x6b: {  	v4 =	vperm.xlane v3, v0;
	_ =	sdelay $0x1  }
0x6c: {  	v4 =	vadd.s32 v1, v4;
	_ =	sdelay $0x1  }
0x6d: {  	v3 =	vperm.xlane v3, v2;
	_ =	sdelay $0x1  }
0x6e: {  	v3 =	vadd.s32 v1, v3  }
0x6f: {  	[tilespmem:s14], [sflag:$0x5] =	stream.indirect_vreg.gather [hbm4b:s3+s2], $0x80, v4, vm0, $0x2000b8;
	[tilespmem:$0x18100] =	vst v63  }
0x70: {  	_ = 	snop  }
0x71: {  	[tilespmem:s15], [sflag:$0x5] =	stream.indirect_vreg.gather [hbm4b:s4+s2], $0x80, v4, vm1, $0x2000b8;
	[tilespmem:$0x18100] =	vst v63  }
0x72: {  	_ = 	snop  }
0x73: {  	[tilespmem:s16], [sflag:$0x5] =	stream.indirect_vreg.gather [hbm4b:s3+s2], $0x80, v3, vm0, $0x2000b8;
	[tilespmem:$0x18100] =	vst v63  }
0x74: {  	_ = 	snop  }
0x75: {  	[tilespmem:s17], [sflag:$0x5] =	stream.indirect_vreg.gather [hbm4b:s4+s2], $0x80, v3, vm1, $0x2000b8;
	[tilespmem:$0x18100] =	vst v63  }
0x76: {  	v3 =	vld [tilespmem:$0x50];
	_ =	sdelay $0x4  }
0x77: {  	v61 =	vshrl.u32 v3, $0x3  }
0x78: {  	v4 =	vmul.u32 $0x18, v61  }
0x79: {  	v3 =	vand.u32 $0x7, v3  }
0x7a: {  	v3 =	vor.u32 v3, v4  }
0x7b: {  	v4 =	vperm.xlane v3, v0;
	_ =	sdelay $0x1  }
0x7c: {  	v4 =	vadd.s32 v1, v4;
	_ =	sdelay $0x1  }
0x7d: {  	v3 =	vperm.xlane v3, v2;
	_ =	sdelay $0x1  }
0x7e: {  	v3 =	vadd.s32 v1, v3  }
0x7f: {  	[tilespmem:s18], [sflag:$0x5] =	stream.indirect_vreg.gather [hbm4b:s3+s2], $0x80, v4, vm0, $0x2000b8;
	[tilespmem:$0x18100] =	vst v63  }
0x80: {  	_ = 	snop  }
0x81: {  	[tilespmem:s19], [sflag:$0x5] =	stream.indirect_vreg.gather [hbm4b:s4+s2], $0x80, v4, vm1, $0x2000b8;
	[tilespmem:$0x18100] =	vst v63  }
0x82: {  	_ = 	snop  }
0x83: {  	[tilespmem:s20], [sflag:$0x5] =	stream.indirect_vreg.gather [hbm4b:s3+s2], $0x80, v3, vm0, $0x2000b8;
	[tilespmem:$0x18100] =	vst v63  }
0x84: {  	_ = 	snop  }
0x85: {  	[tilespmem:s21], [sflag:$0x5] =	stream.indirect_vreg.gather [hbm4b:s4+s2], $0x80, v3, vm1, $0x2000b8;
	[tilespmem:$0x18100] =	vst v63  }
0x86: {  	v3 =	vld [tilespmem:$0x60];
	_ =	sdelay $0x4  }
0x87: {  	v62 =	vshrl.u32 v3, $0x3  }
0x88: {  	v4 =	vmul.u32 $0x18, v62  }
0x89: {  	v3 =	vand.u32 $0x7, v3  }
0x8a: {  	v3 =	vor.u32 v3, v4  }
0x8b: {  	v4 =	vperm.xlane v3, v0;
	_ =	sdelay $0x1  }
0x8c: {  	v4 =	vadd.s32 v1, v4;
	_ =	sdelay $0x1  }
0x8d: {  	v3 =	vperm.xlane v3, v2;
	_ =	sdelay $0x1  }
0x8e: {  	v3 =	vadd.s32 v1, v3  }
0x8f: {  	[tilespmem:s22], [sflag:$0x5] =	stream.indirect_vreg.gather [hbm4b:s3+s2], $0x80, v4, vm0, $0x2000b8;
	[tilespmem:$0x18100] =	vst v63  }
0x90: {  	_ = 	snop  }
0x91: {  	[tilespmem:s23], [sflag:$0x5] =	stream.indirect_vreg.gather [hbm4b:s4+s2], $0x80, v4, vm1, $0x2000b8;
	[tilespmem:$0x18100] =	vst v63  }
0x92: {  	_ = 	snop  }
0x93: {  	[tilespmem:s24], [sflag:$0x5] =	stream.indirect_vreg.gather [hbm4b:s3+s2], $0x80, v3, vm0, $0x2000b8;
	[tilespmem:$0x18100] =	vst v63  }
0x94: {  	_ = 	snop  }
0x95: {  	[tilespmem:s25], [sflag:$0x5] =	stream.indirect_vreg.gather [hbm4b:s4+s2], $0x80, v3, vm1, $0x2000b8;
	[tilespmem:$0x18100] =	vst v63  }
0x96: {  	v3 =	vld [tilespmem:$0x70];
	_ =	sdelay $0x4  }
0x97: {  	v63 =	vshrl.u32 v3, $0x3  }
0x98: {  	v4 =	vmul.u32 $0x18, v63  }
0x99: {  	v3 =	vand.u32 $0x7, v3  }
0x9a: {  	v3 =	vor.u32 v3, v4  }
0x9b: {  	v4 =	vperm.xlane v3, v0;
	_ =	sdelay $0x1  }
0x9c: {  	v4 =	vadd.s32 v1, v4;
	_ =	sdelay $0x1  }
0x9d: {  	v3 =	vperm.xlane v3, v2;
	_ =	sdelay $0x1  }
0x9e: {  	v3 =	vadd.s32 v1, v3  }
0x9f: {  	[tilespmem:s26], [sflag:$0x5] =	stream.indirect_vreg.gather [hbm4b:s3+s2], $0x80, v4, vm0, $0x2000b8;
	[tilespmem:$0x18100] =	vst v63  }
0xa0: {  	_ = 	snop  }
0xa1: {  	[tilespmem:s28], [sflag:$0x5] =	stream.indirect_vreg.gather [hbm4b:s4+s2], $0x80, v4, vm1, $0x2000b8;
	[tilespmem:$0x18100] =	vst v63  }
0xa2: {  	_ = 	snop  }
0xa3: {  	[tilespmem:s29], [sflag:$0x5] =	stream.indirect_vreg.gather [hbm4b:s3+s2], $0x80, v3, vm0, $0x2000b8;
	[tilespmem:$0x18100] =	vst v63  }
0xa4: {  	_ = 	snop  }
0xa5: {  	[tilespmem:s30], [sflag:$0x5] =	stream.indirect_vreg.gather [hbm4b:s4+s2], $0x80, v3, vm1, $0x2000b8;
	[tilespmem:$0x18100] =	vst v63  }
0xa6: {  	_ =	swait.ge [sflag:s31], $0xC000  }
0xa7: {  	[sflag:s31] =	ssyncset.done $0x0  }
0xa8: {  	[sflag:s31] =	ssyncadd.s32 $0xFFFF4000  }
0xa9: {  	_ =	strace $0x9000004B  }
0xaa: {  	_ =	strace $0x8000004C  }
0xab: {  	s8 =	rddreg [dreg:$0x4]  }
0xac: {  	[hbm4b:s8+s2] =	stream.linear.scatter [tilespmem:s7], [sflag:$0x3], $0xC000, $0x200038;
	[tilespmem:$0x18100] =	vst v63  }
0xad: {  	p0 =	sne.s32 s5, $0x1;
	_ =	strace $0x9000004C  }
.Ltmp1:
0xae: {  	_ =	strace $0x8000004E;
	(pc) =	sbr.rel @p0 .LBB2_2-.Ltmp1, $4  }
0xaf: {  	_ =	swait.ge [sflag:s0], $0xC000  }
0xb0: {  	[sflag:s0] =	ssyncset.done $0x0  }
0xb1: {  	[sflag:s0] =	ssyncadd.s32 $0xFFFF4000  }
0xb2: {  	s5 =	sadd.s32 $0xFFFFFFFF, s5;
	_ =	strace $0x9000004E  }
.LBB2_3:
0xb3: {  	_ =	sfence.sel $0x180000  }
0xb4: {  	[bflag:$0x0] =	sbarrier.arrive $0xFFFF  }
0xb5: {  	_ =	strace $0x90000047  }
0xb6: {  	s0 =	stileid.u32;
	[bflag:$0x2] =	sbarrier.arrive $0xFFFF  }
0xb7: {  	p0 =	sne.s32 s0, $0x0;
	s0 =	rddreg [dreg:$0x2]  }
0xb8: {  	s0 =	sadd.s32 @!p0 $0x100000, s0  }
0xb9: {  	[sflag:s0] =	ssyncadd.tile.s32 @!p0 $0x1;
	_ =	shalt  }
.Lfunc_end2:
_tile_overlayer_lowered:
.L_overlay_start_2:
0xba: {  	(tag) =	ssettag $0x2  }
0xbb: {  	s0 =	rddreg [dreg:$0x0];
	s2 =	stileid.u32  }
0xbc: {  	s1 =	rddreg [dreg:$0x1];
	p0 =	sne.s32 s2, $0x0  }
0xbd: {  	s3 =	rddreg [dreg:$0x2];
	[bflag:$0x3] =	sbarrier.arrive $0xFFFF;
	s2 =	simm.s32 @!p0 $0x1C01  }
0xbe: {  	[timem:s3], [sflag:s2] =	dma.local @!p0 [hbm:s0], s1  }
0xbf: {  	s0 =	simm.s32 @!p0 $0x1  }
0xc0: {  	_ =	swait.ge @!p0 [sflag:s0], s1  }
0xc1: {  	s1 =	ssub.s32 @!p0 $0x0, s1;
	[sflag:s0] =	ssyncset.done @!p0 $0x0  }
0xc2: {  	[sflag:s0] =	ssyncadd.s32 @!p0 s1  }
0xc3: {  	[bflag:$0x3] =	sbarrier.arrive $0xFFFF  }
0xc4: {  	_ =	shalt  }

</sc_bundles>
